<compile_context>
chip_gen: v7x
topology: tpu7x:2x2x1
jax: 0.10.2.dev20260603
libtpu: 0.0.44.dev20260713+nightly
codegen_flags: <defaults>
</compile_context>

<pallas_src>
import functools

import jax
import jax.numpy as jnp
from jax import lax
from jax.experimental import pallas as pl
from jax.experimental.pallas import tpu as pltpu
from jax.experimental.pallas import tpu_sc as plsc

BATCH = 16384
DIM = 64
NW = 32
BPW = BATCH // NW
NU = 1000001
NBLK = (NU + 127) // 128
BLK_PW = (NBLK + NW - 1) // NW
NRING = 8
NBUF = 4


def _extract_phase(tab_t, sv_v, sp_v, st_v, out_hbm, bbuf, orow,
                   sems, bsem, w, slot_base):
  lane = lax.iota(jnp.int32, 16)
  j_lo = w * BLK_PW
  j_hi = jnp.minimum(j_lo + BLK_PW, NBLK)
  nblk_w = j_hi - j_lo
  n_ent = st_v[pl.ds(j_hi, 16)][0] - st_v[pl.ds(j_lo, 16)][0]

  def nonempty(jj):
    j = j_lo + jj
    return st_v[pl.ds(j + 1, 16)][0] > st_v[pl.ds(j, 16)][0]

  def issue(jj):
    @pl.when(jnp.logical_and(jj < nblk_w, nonempty(jj)))
    def _():
      col0 = pl.multiple_of((j_lo + jj) * 128, 128)
      pltpu.async_copy(tab_t.at[:, pl.ds(col0, 128)],
                       bbuf.at[jj % NBUF], bsem.at[jj % NBUF])

  for p in range(NBUF - 1):
    issue(jnp.int32(p))

  def block_body(jj, done):
    j = j_lo + jj

    def do_block():
      buf = bbuf.at[jj % NBUF]
      issue(jj + NBUF - 1)
      lo = st_v[pl.ds(j, 16)][0]
      hi = st_v[pl.ds(j + 1, 16)][0]

      @pl.when(hi > lo)
      def _():
        pltpu.make_async_copy(tab_t.at[:, pl.ds(0, 128)], buf,
                              bsem.at[jj % NBUF]).wait()

      def ent_body(i, c2):
        e = lo + i
        val = sv_v[pl.ds(e, 16)][0]
        pos = sp_v[pl.ds(e, 16)][0]
        col = jnp.broadcast_to(val & 127, (16,))
        slot = (done + i) % NRING
        row = orow.at[slot]

        @pl.when(done + i >= NRING)
        def _():
          pltpu.make_async_copy(
              row, out_hbm.at[pl.ds(0, 1)], sems.at[slot]).wait()

        for c in range(4):
          vals = plsc.load_gather(buf, [lane + 16 * c, col])
          row[0, pl.ds(16 * c, 16)] = vals
        pltpu.async_copy(
            row, out_hbm.at[pl.ds(slot_base + pos, 1)], sems.at[slot])
        return c2

      lax.fori_loop(0, hi - lo, ent_body, 0)
      return hi - lo

    n = lax.cond(j < NBLK, do_block, lambda: jnp.int32(0))
    return done + n

  lax.fori_loop(0, BLK_PW, block_body, jnp.int32(0))

  def drain(s, c):
    @pl.when(s < jnp.minimum(n_ent, NRING))
    def _():
      pltpu.make_async_copy(
          orow.at[s], out_hbm.at[pl.ds(0, 1)], sems.at[s]).wait()
    return c

  lax.fori_loop(0, NRING, drain, 0)


def _sc_extract(u_sv, u_sp, u_st, i_sv, i_sp, i_st, ut_hbm, it_hbm, out_hbm,
                sv_v, sp_v, ust_v, ist_v, bbuf, orow, sems, bsem):
  w = lax.axis_index("s") * 2 + lax.axis_index("c")
  pltpu.sync_copy(u_st, ust_v)
  pltpu.sync_copy(i_st, ist_v)
  pltpu.sync_copy(u_sv, sv_v.at[pl.ds(0, BATCH + 16)])
  pltpu.sync_copy(u_sp, sp_v.at[pl.ds(0, BATCH + 16)])
  _extract_phase(ut_hbm, sv_v, sp_v, ust_v, out_hbm, bbuf, orow,
                 sems, bsem, w, 0)
  pltpu.sync_copy(i_sv, sv_v)
  pltpu.sync_copy(i_sp, sp_v)
  _extract_phase(it_hbm, sv_v, sp_v, ist_v, out_hbm, bbuf, orow,
                 sems, bsem, w, BATCH)


@jax.jit
def _sc_stage1(u_sv, u_sp, u_st, i_sv, i_sp, i_st, ut_t, it_t):
  mesh = plsc.VectorSubcoreMesh(core_axis_name="c", subcore_axis_name="s")
  f = pl.kernel(
      _sc_extract,
      out_type=jax.ShapeDtypeStruct((3 * BATCH, DIM), jnp.float32),
      mesh=mesh,
      compiler_params=pltpu.CompilerParams(
          needs_layout_passes=False, use_tc_tiling_on_sc=True,
          disable_bounds_checks=True),
      scratch_types=[
          pltpu.VMEM((2 * BATCH + 16,), jnp.int32),
          pltpu.VMEM((2 * BATCH + 16,), jnp.int32),
          pltpu.VMEM((NBLK + 17,), jnp.int32),
          pltpu.VMEM((NBLK + 17,), jnp.int32),
          pltpu.VMEM((NBUF, DIM, 128), jnp.float32),
          pltpu.VMEM((NRING, 1, DIM), jnp.float32),
          pltpu.SemaphoreType.DMA((NRING,)),
          pltpu.SemaphoreType.DMA((NBUF,)),
      ],
  )
  return f(u_sv, u_sp, u_st, i_sv, i_sp, i_st, ut_t, it_t)


def _loss_body(rows_ref, out_ref):
  pu = rows_ref[0:BATCH, :]
  qi = rows_ref[BATCH:2 * BATCH, :]
  qj = rows_ref[2 * BATCH:3 * BATCH, :]
  x = jnp.sum(pu * (qi - qj), axis=1)
  t = jnp.log(jax.nn.sigmoid(x) + 1e-08)
  out_ref[0, 0] = -jnp.sum(t) * (1.0 / BATCH)


@jax.jit
def _tc_loss(rows):
  res = pl.pallas_call(
      _loss_body,
      out_shape=jax.ShapeDtypeStruct((1, 1), jnp.float32),
      out_specs=pl.BlockSpec(memory_space=pltpu.SMEM),
  )(rows)
  return res[0, 0]


def _prep(idx, n):
  idx = idx.astype(jnp.int32)
  iota = jnp.arange(idx.shape[0], dtype=jnp.int32)
  sv, order = lax.sort((idx, iota), num_keys=1)
  counts = jnp.zeros((NBLK,), jnp.int32).at[sv >> 7].add(1)
  starts = jnp.concatenate(
      [jnp.zeros((1,), jnp.int32), jnp.cumsum(counts).astype(jnp.int32)])
  sv_p = jnp.pad(sv, (0, 16))
  sp_p = jnp.pad(order, (0, 16))
  st_p = jnp.pad(starts, (0, 16))
  return sv_p, sp_p, st_p


def kernel(u, i_pos, i_neg, user_table, item_table):
  u_sv, u_sp, u_st = _prep(u, BATCH)
  iv = jnp.concatenate([i_pos.astype(jnp.int32), i_neg.astype(jnp.int32)])
  i_sv, i_sp, i_st = _prep(iv, 2 * BATCH)
  rows = _sc_stage1(u_sv, u_sp, u_st, i_sv, i_sp, i_st,
                    user_table.T, item_table.T)
  return _tc_loss(rows)

# --- scband reference (transcript-rebuilt; emitter-appended) ---
"""Pipeline reference for scband-bprmf-90632399880422 (READ-ONLY COPY).

The authoritative reference and input builder live on the scoring server;
editing this copy changes nothing except your own understanding.
"""

import jax, jax.numpy as jnp
import numpy as np

NUM_USERS = 1000000
NUM_ITEMS = 1000000
DIM = 64
BATCH = 16384


def setup_inputs(seed: int = 0) -> dict:
    key = jax.random.key(seed)
    k1, k2, k3, k4, k5 = jax.random.split(key, 5)
    u = jax.random.randint(k1, (BATCH,), 0, NUM_USERS, dtype=jnp.int64) if jax.config.jax_enable_x64 else jax.random.randint(k1, (BATCH,), 0, NUM_USERS).astype(jnp.int32)
    i_pos = jax.random.randint(k2, (BATCH,), 0, NUM_ITEMS).astype(u.dtype)
    i_neg = jax.random.randint(k3, (BATCH,), 0, NUM_ITEMS).astype(u.dtype)
    user_table = jax.random.normal(k4, (NUM_USERS + 1, DIM), dtype=jnp.float32) * 0.02
    item_table = jax.random.normal(k5, (NUM_ITEMS + 1, DIM), dtype=jnp.float32) * 0.02
    # padding_idx=0 rows are zeroed like torch.nn.Embedding(padding_idx=0)
    user_table = user_table.at[0].set(0.0)
    item_table = item_table.at[0].set(0.0)
    return {"u": u, "i_pos": i_pos, "i_neg": i_neg, "user_table": user_table, "item_table": item_table}


def reference(u, i_pos, i_neg, user_table, item_table):
    # gathers (embedding lookups)
    pu = jnp.take(user_table, u, axis=0)
    qi = jnp.take(item_table, i_pos, axis=0)
    qj = jnp.take(item_table, i_neg, axis=0)
    x = jnp.sum(pu * (qi - qj), axis=-1)
    loss = -jnp.mean(jnp.log(jax.nn.sigmoid(x) + 1e-08))
    return loss


if False:  # reference __main__ guard neutralized (emitter)
    inp = setup_inputs()
    out = reference(**inp)
    print(out)

if __name__ == "__main__":
    import jax
    _d = setup_inputs()
    print(jax.jit(kernel)(*tuple(_d.values())))

</pallas_src>

<mosaic_0001>
#map = affine_map<(d0, d1) -> (0)>
#map1 = affine_map<(d0, d1) -> (0, 0)>
module attributes {stable_mosaic.version = 14 : i64} {
  func.func @_sc_extract(%arg0: i32, %arg1: i32, %arg2: memref<16400xi32, #tpu.memory_space<hbm>>, %arg3: memref<16400xi32, #tpu.memory_space<hbm>>, %arg4: memref<7830xi32, #tpu.memory_space<hbm>>, %arg5: memref<32784xi32, #tpu.memory_space<hbm>>, %arg6: memref<32784xi32, #tpu.memory_space<hbm>>, %arg7: memref<7830xi32, #tpu.memory_space<hbm>>, %arg8: memref<64x1000001xf32, #tpu.memory_space<hbm>>, %arg9: memref<64x1000001xf32, #tpu.memory_space<hbm>>, %arg10: memref<49152x64xf32, #tpu.memory_space<hbm>>, %arg11: memref<32784xi32, #tpu.memory_space<vmem>>, %arg12: memref<32784xi32, #tpu.memory_space<vmem>>, %arg13: memref<7830xi32, #tpu.memory_space<vmem>>, %arg14: memref<7830xi32, #tpu.memory_space<vmem>>, %arg15: memref<4x64x128xf32, #tpu.memory_space<vmem>>, %arg16: memref<8x1x64xf32, #tpu.memory_space<vmem>>, %arg17: memref<8x!tpu.dma_semaphore, #tpu.memory_space<semaphore_mem>>, %arg18: memref<4x!tpu.dma_semaphore, #tpu.memory_space<semaphore_mem>>) attributes {dimension_semantics = [#tpu.dimension_semantics<core_parallel>, #tpu.dimension_semantics<subcore_parallel>], iteration_bounds = array<i64: 2, 16>, scalar_prefetch = 0 : i64, scratch_operands = 8 : i64, tpu.core_type = #tpu.core_type<sc_vector_subcore>, window_params = [{transform_indices = #map}, {transform_indices = #map}, {transform_indices = #map}, {transform_indices = #map}, {transform_indices = #map}, {transform_indices = #map}, {transform_indices = #map1}, {transform_indices = #map1}, {transform_indices = #map1}]} {
    %mul3A = arith.constant 2 : i32
    %mul3A_0 = arith.muli %arg1, %mul3A : i32
    %add3A = arith.addi %mul3A_0, %arg0 : i32
    "tpu.region"() ({
      %run_scoped3A = tpu.sem_alloc : memref<!tpu.dma_semaphore, #tpu.memory_space<semaphore_mem>>
      tpu.enqueue_dma source(%arg4 : memref<7830xi32, #tpu.memory_space<hbm>>) target(%arg13 : memref<7830xi32, #tpu.memory_space<vmem>>) target_semaphore(%run_scoped3A : memref<!tpu.dma_semaphore, #tpu.memory_space<semaphore_mem>>)
      tpu.wait_dma2 semaphore(%run_scoped3A : memref<!tpu.dma_semaphore, #tpu.memory_space<semaphore_mem>>) src(%arg4 : memref<7830xi32, #tpu.memory_space<hbm>>) dst(%arg13 : memref<7830xi32, #tpu.memory_space<vmem>>)
      tpu.yield
    }) : () -> ()
    "tpu.region"() ({
      %run_scoped3A = tpu.sem_alloc : memref<!tpu.dma_semaphore, #tpu.memory_space<semaphore_mem>>
      tpu.enqueue_dma source(%arg7 : memref<7830xi32, #tpu.memory_space<hbm>>) target(%arg14 : memref<7830xi32, #tpu.memory_space<vmem>>) target_semaphore(%run_scoped3A : memref<!tpu.dma_semaphore, #tpu.memory_space<semaphore_mem>>)
      tpu.wait_dma2 semaphore(%run_scoped3A : memref<!tpu.dma_semaphore, #tpu.memory_space<semaphore_mem>>) src(%arg7 : memref<7830xi32, #tpu.memory_space<hbm>>) dst(%arg14 : memref<7830xi32, #tpu.memory_space<vmem>>)
      tpu.yield
    }) : () -> ()
    "tpu.region"() ({
      %run_scoped3A = tpu.sem_alloc : memref<!tpu.dma_semaphore, #tpu.memory_space<semaphore_mem>>
      %dma_start3A = arith.constant 0 : i32
      %dma_start3A_169 = tpu.memref_slice %arg11[%dma_start3A] : memref<32784xi32, #tpu.memory_space<vmem>> -> memref<16400xi32, #tpu.memory_space<vmem>>
      %dma_start3A_170 = arith.constant 0 : i32
      %dma_start3A_171 = tpu.memref_slice %arg11[%dma_start3A_170] : memref<32784xi32, #tpu.memory_space<vmem>> -> memref<16400xi32, #tpu.memory_space<vmem>>
      tpu.enqueue_dma source(%arg2 : memref<16400xi32, #tpu.memory_space<hbm>>) target(%dma_start3A_171 : memref<16400xi32, #tpu.memory_space<vmem>>) target_semaphore(%run_scoped3A : memref<!tpu.dma_semaphore, #tpu.memory_space<semaphore_mem>>)
      %dma_wait3A = arith.constant 0 : i32
      %dma_wait3A_172 = tpu.memref_slice %arg11[%dma_wait3A] : memref<32784xi32, #tpu.memory_space<vmem>> -> memref<16400xi32, #tpu.memory_space<vmem>>
      %dma_wait3A_173 = arith.constant 0 : i32
      %dma_wait3A_174 = tpu.memref_slice %arg11[%dma_wait3A_173] : memref<32784xi32, #tpu.memory_space<vmem>> -> memref<16400xi32, #tpu.memory_space<vmem>>
      tpu.wait_dma2 semaphore(%run_scoped3A : memref<!tpu.dma_semaphore, #tpu.memory_space<semaphore_mem>>) src(%arg2 : memref<16400xi32, #tpu.memory_space<hbm>>) dst(%dma_wait3A_174 : memref<16400xi32, #tpu.memory_space<vmem>>)
      tpu.yield
    }) : () -> ()
    "tpu.region"() ({
      %run_scoped3A = tpu.sem_alloc : memref<!tpu.dma_semaphore, #tpu.memory_space<semaphore_mem>>
      %dma_start3A = arith.constant 0 : i32
      %dma_start3A_169 = tpu.memref_slice %arg12[%dma_start3A] : memref<32784xi32, #tpu.memory_space<vmem>> -> memref<16400xi32, #tpu.memory_space<vmem>>
      %dma_start3A_170 = arith.constant 0 : i32
      %dma_start3A_171 = tpu.memref_slice %arg12[%dma_start3A_170] : memref<32784xi32, #tpu.memory_space<vmem>> -> memref<16400xi32, #tpu.memory_space<vmem>>
      tpu.enqueue_dma source(%arg3 : memref<16400xi32, #tpu.memory_space<hbm>>) target(%dma_start3A_171 : memref<16400xi32, #tpu.memory_space<vmem>>) target_semaphore(%run_scoped3A : memref<!tpu.dma_semaphore, #tpu.memory_space<semaphore_mem>>)
      %dma_wait3A = arith.constant 0 : i32
      %dma_wait3A_172 = tpu.memref_slice %arg12[%dma_wait3A] : memref<32784xi32, #tpu.memory_space<vmem>> -> memref<16400xi32, #tpu.memory_space<vmem>>
      %dma_wait3A_173 = arith.constant 0 : i32
      %dma_wait3A_174 = tpu.memref_slice %arg12[%dma_wait3A_173] : memref<32784xi32, #tpu.memory_space<vmem>> -> memref<16400xi32, #tpu.memory_space<vmem>>
      tpu.wait_dma2 semaphore(%run_scoped3A : memref<!tpu.dma_semaphore, #tpu.memory_space<semaphore_mem>>) src(%arg3 : memref<16400xi32, #tpu.memory_space<hbm>>) dst(%dma_wait3A_174 : memref<16400xi32, #tpu.memory_space<vmem>>)
      tpu.yield
    }) : () -> ()
    %iota3A = tpu.iota {dimensions = array<i32: 0>} : vector<16xi32>
    %mul3A_1 = arith.constant 245 : i32
    %mul3A_2 = arith.muli %add3A, %mul3A_1 : i32
    %add3A_3 = arith.constant 245 : i32
    %add3A_4 = arith.addi %mul3A_2, %add3A_3 : i32
    %min3A = arith.constant 7813 : i32
    %min3A_5 = arith.minsi %add3A_4, %min3A : i32
    %sub3A = arith.subi %min3A_5, %mul3A_2 : i32
    %get3A = arith.index_cast %min3A_5 : i32 to index
    %get3A_6 = tpu.vector_load %arg13[%get3A] {strides = array<i32>} : memref<7830xi32, #tpu.memory_space<vmem>>, vector<16xi32>,
    %slice3A = vector.extract_strided_slice %get3A_6 {offsets = [0], sizes = [1], strides = [1]} : vector<16xi32> to vector<1xi32>
    %squeeze3A = vector.extract %slice3A[0] : i32 from vector<1xi32>
    %get3A_7 = arith.index_cast %mul3A_2 : i32 to index
    %get3A_8 = tpu.vector_load %arg13[%get3A_7] {strides = array<i32>} : memref<7830xi32, #tpu.memory_space<vmem>>, vector<16xi32>,
    %slice3A_9 = vector.extract_strided_slice %get3A_8 {offsets = [0], sizes = [1], strides = [1]} : vector<16xi32> to vector<1xi32>
    %squeeze3A_10 = vector.extract %slice3A_9[0] : i32 from vector<1xi32>
    %sub3A_11 = arith.subi %squeeze3A, %squeeze3A_10 : i32
    %lt3A = arith.constant 0 : i32
    %lt3A_12 = arith.cmpi slt, %lt3A, %sub3A : i32
    %add3A_13 = arith.constant 0 : i32
    %add3A_14 = arith.addi %mul3A_2, %add3A_13 : i32
    %add3A_15 = arith.constant 1 : i32
    %add3A_16 = arith.addi %add3A_14, %add3A_15 : i32
    %get3A_17 = arith.index_cast %add3A_16 : i32 to index
    %get3A_18 = tpu.vector_load %arg13[%get3A_17] {strides = array<i32>} : memref<7830xi32, #tpu.memory_space<vmem>>, vector<16xi32>,
    %slice3A_19 = vector.extract_strided_slice %get3A_18 {offsets = [0], sizes = [1], strides = [1]} : vector<16xi32> to vector<1xi32>
    %squeeze3A_20 = vector.extract %slice3A_19[0] : i32 from vector<1xi32>
    %get3A_21 = arith.index_cast %add3A_14 : i32 to index
    %get3A_22 = tpu.vector_load %arg13[%get3A_21] {strides = array<i32>} : memref<7830xi32, #tpu.memory_space<vmem>>, vector<16xi32>,
    %slice3A_23 = vector.extract_strided_slice %get3A_22 {offsets = [0], sizes = [1], strides = [1]} : vector<16xi32> to vector<1xi32>
    %squeeze3A_24 = vector.extract %slice3A_23[0] : i32 from vector<1xi32>
    %gt3A = arith.cmpi sgt, %squeeze3A_20, %squeeze3A_24 : i32
    %and3A = arith.andi %lt3A_12, %gt3A : i1
    %convert_element_type3A = arith.extui %and3A : i1 to i32
    %cond3A = arith.constant 0 : i32
    %cond3A_25 = arith.constant 0 : i32
    %cond3A_26 = arith.cmpi ne, %convert_element_type3A, %cond3A_25 : i32
    scf.if %cond3A_26 {
      %add3A_169 = arith.addi %mul3A_2, %cond3A : i32
      %mul3A_170 = arith.constant 128 : i32
      %mul3A_171 = arith.muli %add3A_169, %mul3A_170 : i32
      %multiple_of3A = tpu.assume_multiple %mul3A_171, 128 : i32
      %jit3A = arith.constant 4 : i32
      %eq3A = arith.constant 0 : i32
      %eq3A_172 = arith.cmpi eq, %jit3A, %eq3A : i32
      %jit3A_173 = arith.constant 1 : i32
      %select_n3A = arith.select %eq3A_172, %jit3A_173, %jit3A : i32
      %rem3A = arith.remsi %cond3A, %select_n3A : i32
      %ne3A = arith.constant 0 : i32
      %ne3A_174 = arith.cmpi ne, %rem3A, %ne3A : i32
      %lt3A_175 = arith.constant 0 : i32
      %lt3A_176 = arith.cmpi slt, %rem3A, %lt3A_175 : i32
      %lt3A_177 = arith.constant 0 : i32
      %lt3A_178 = arith.cmpi slt, %select_n3A, %lt3A_177 : i32
      %ne3A_179 = arith.xori %lt3A_176, %lt3A_178 : i1
      %and3A_180 = arith.andi %ne3A_179, %ne3A_174 : i1
      %add3A_181 = arith.addi %rem3A, %select_n3A : i32
      %select_n3A_182 = arith.select %and3A_180, %add3A_181, %rem3A : i32
      %jit3A_183 = arith.constant 4 : i32
      %eq3A_184 = arith.constant 0 : i32
      %eq3A_185 = arith.cmpi eq, %jit3A_183, %eq3A_184 : i32
      %jit3A_186 = arith.constant 1 : i32
      %select_n3A_187 = arith.select %eq3A_185, %jit3A_186, %jit3A_183 : i32
      %rem3A_188 = arith.remsi %cond3A, %select_n3A_187 : i32
      %ne3A_189 = arith.constant 0 : i32
      %ne3A_190 = arith.cmpi ne, %rem3A_188, %ne3A_189 : i32
      %lt3A_191 = arith.constant 0 : i32
      %lt3A_192 = arith.cmpi slt, %rem3A_188, %lt3A_191 : i32
      %lt3A_193 = arith.constant 0 : i32
      %lt3A_194 = arith.cmpi slt, %select_n3A_187, %lt3A_193 : i32
      %ne3A_195 = arith.xori %lt3A_192, %lt3A_194 : i1
      %and3A_196 = arith.andi %ne3A_195, %ne3A_190 : i1
      %add3A_197 = arith.addi %rem3A_188, %select_n3A_187 : i32
      %select_n3A_198 = arith.select %and3A_196, %add3A_197, %rem3A_188 : i32
      %dma_start3A = arith.constant 0 : i32
      %dma_start3A_199 = arith.constant 0 : i32
      %dma_start3A_200 = tpu.memref_slice %arg15[%select_n3A_182, %dma_start3A, %dma_start3A_199] : memref<4x64x128xf32, #tpu.memory_space<vmem>> -> memref<1x64x128xf32, #tpu.memory_space<vmem>>
      %dma_start3A_201 = tpu.memref_squeeze %dma_start3A_200 : memref<1x64x128xf32, #tpu.memory_space<vmem>> -> memref<64x128xf32, #tpu.memory_space<vmem>>
      %dma_start3A_202 = arith.constant 0 : i32
      %dma_start3A_203 = tpu.memref_slice %arg8[%dma_start3A_202, %multiple_of3A] : memref<64x1000001xf32, #tpu.memory_space<hbm>> -> memref<64x128xf32, #tpu.memory_space<hbm>>
      %dma_start3A_204 = tpu.memref_slice %arg18[%select_n3A_198] : memref<4x!tpu.dma_semaphore, #tpu.memory_space<semaphore_mem>> -> memref<1x!tpu.dma_semaphore, #tpu.memory_space<semaphore_mem>>
      %dma_start3A_205 = tpu.memref_squeeze %dma_start3A_204 : memref<1x!tpu.dma_semaphore, #tpu.memory_space<semaphore_mem>> -> memref<!tpu.dma_semaphore, #tpu.memory_space<semaphore_mem>>
      %dma_start3A_206 = arith.constant 0 : i32
      %dma_start3A_207 = arith.constant 0 : i32
      %dma_start3A_208 = tpu.memref_slice %arg15[%select_n3A_182, %dma_start3A_206, %dma_start3A_207] : memref<4x64x128xf32, #tpu.memory_space<vmem>> -> memref<1x64x128xf32, #tpu.memory_space<vmem>>
      %dma_start3A_209 = tpu.memref_squeeze %dma_start3A_208 : memref<1x64x128xf32, #tpu.memory_space<vmem>> -> memref<64x128xf32, #tpu.memory_space<vmem>>
      %dma_start3A_210 = arith.constant 0 : i32
      %dma_start3A_211 = tpu.memref_slice %arg8[%dma_start3A_210, %multiple_of3A] : memref<64x1000001xf32, #tpu.memory_space<hbm>> -> memref<64x128xf32, #tpu.memory_space<hbm>>
      tpu.enqueue_dma source(%dma_start3A_211 : memref<64x128xf32, #tpu.memory_space<hbm>>) target(%dma_start3A_209 : memref<64x128xf32, #tpu.memory_space<vmem>>) target_semaphore(%dma_start3A_205 : memref<!tpu.dma_semaphore, #tpu.memory_space<semaphore_mem>>)
    } else {
    }
    %lt3A_27 = arith.constant 1 : i32
    %lt3A_28 = arith.cmpi slt, %lt3A_27, %sub3A : i32
    %add3A_29 = arith.constant 1 : i32
    %add3A_30 = arith.addi %mul3A_2, %add3A_29 : i32
    %add3A_31 = arith.constant 1 : i32
    %add3A_32 = arith.addi %add3A_30, %add3A_31 : i32
    %get3A_33 = arith.index_cast %add3A_32 : i32 to index
    %get3A_34 = tpu.vector_load %arg13[%get3A_33] {strides = array<i32>} : memref<7830xi32, #tpu.memory_space<vmem>>, vector<16xi32>,
    %slice3A_35 = vector.extract_strided_slice %get3A_34 {offsets = [0], sizes = [1], strides = [1]} : vector<16xi32> to vector<1xi32>
    %squeeze3A_36 = vector.extract %slice3A_35[0] : i32 from vector<1xi32>
    %get3A_37 = arith.index_cast %add3A_30 : i32 to index
    %get3A_38 = tpu.vector_load %arg13[%get3A_37] {strides = array<i32>} : memref<7830xi32, #tpu.memory_space<vmem>>, vector<16xi32>,
    %slice3A_39 = vector.extract_strided_slice %get3A_38 {offsets = [0], sizes = [1], strides = [1]} : vector<16xi32> to vector<1xi32>
    %squeeze3A_40 = vector.extract %slice3A_39[0] : i32 from vector<1xi32>
    %gt3A_41 = arith.cmpi sgt, %squeeze3A_36, %squeeze3A_40 : i32
    %and3A_42 = arith.andi %lt3A_28, %gt3A_41 : i1
    %convert_element_type3A_43 = arith.extui %and3A_42 : i1 to i32
    %cond3A_44 = arith.constant 1 : i32
    %cond3A_45 = arith.constant 0 : i32
    %cond3A_46 = arith.cmpi ne, %convert_element_type3A_43, %cond3A_45 : i32
    scf.if %cond3A_46 {
      %add3A_169 = arith.addi %mul3A_2, %cond3A_44 : i32
      %mul3A_170 = arith.constant 128 : i32
      %mul3A_171 = arith.muli %add3A_169, %mul3A_170 : i32
      %multiple_of3A = tpu.assume_multiple %mul3A_171, 128 : i32
      %jit3A = arith.constant 4 : i32
      %eq3A = arith.constant 0 : i32
      %eq3A_172 = arith.cmpi eq, %jit3A, %eq3A : i32
      %jit3A_173 = arith.constant 1 : i32
      %select_n3A = arith.select %eq3A_172, %jit3A_173, %jit3A : i32
      %rem3A = arith.remsi %cond3A_44, %select_n3A : i32
      %ne3A = arith.constant 0 : i32
      %ne3A_174 = arith.cmpi ne, %rem3A, %ne3A : i32
      %lt3A_175 = arith.constant 0 : i32
      %lt3A_176 = arith.cmpi slt, %rem3A, %lt3A_175 : i32
      %lt3A_177 = arith.constant 0 : i32
      %lt3A_178 = arith.cmpi slt, %select_n3A, %lt3A_177 : i32
      %ne3A_179 = arith.xori %lt3A_176, %lt3A_178 : i1
      %and3A_180 = arith.andi %ne3A_179, %ne3A_174 : i1
      %add3A_181 = arith.addi %rem3A, %select_n3A : i32
      %select_n3A_182 = arith.select %and3A_180, %add3A_181, %rem3A : i32
      %jit3A_183 = arith.constant 4 : i32
      %eq3A_184 = arith.constant 0 : i32
      %eq3A_185 = arith.cmpi eq, %jit3A_183, %eq3A_184 : i32
      %jit3A_186 = arith.constant 1 : i32
      %select_n3A_187 = arith.select %eq3A_185, %jit3A_186, %jit3A_183 : i32
      %rem3A_188 = arith.remsi %cond3A_44, %select_n3A_187 : i32
      %ne3A_189 = arith.constant 0 : i32
      %ne3A_190 = arith.cmpi ne, %rem3A_188, %ne3A_189 : i32
      %lt3A_191 = arith.constant 0 : i32
      %lt3A_192 = arith.cmpi slt, %rem3A_188, %lt3A_191 : i32
      %lt3A_193 = arith.constant 0 : i32
      %lt3A_194 = arith.cmpi slt, %select_n3A_187, %lt3A_193 : i32
      %ne3A_195 = arith.xori %lt3A_192, %lt3A_194 : i1
      %and3A_196 = arith.andi %ne3A_195, %ne3A_190 : i1
      %add3A_197 = arith.addi %rem3A_188, %select_n3A_187 : i32
      %select_n3A_198 = arith.select %and3A_196, %add3A_197, %rem3A_188 : i32
      %dma_start3A = arith.constant 0 : i32
      %dma_start3A_199 = arith.constant 0 : i32
      %dma_start3A_200 = tpu.memref_slice %arg15[%select_n3A_182, %dma_start3A, %dma_start3A_199] : memref<4x64x128xf32, #tpu.memory_space<vmem>> -> memref<1x64x128xf32, #tpu.memory_space<vmem>>
      %dma_start3A_201 = tpu.memref_squeeze %dma_start3A_200 : memref<1x64x128xf32, #tpu.memory_space<vmem>> -> memref<64x128xf32, #tpu.memory_space<vmem>>
      %dma_start3A_202 = arith.constant 0 : i32
      %dma_start3A_203 = tpu.memref_slice %arg8[%dma_start3A_202, %multiple_of3A] : memref<64x1000001xf32, #tpu.memory_space<hbm>> -> memref<64x128xf32, #tpu.memory_space<hbm>>
      %dma_start3A_204 = tpu.memref_slice %arg18[%select_n3A_198] : memref<4x!tpu.dma_semaphore, #tpu.memory_space<semaphore_mem>> -> memref<1x!tpu.dma_semaphore, #tpu.memory_space<semaphore_mem>>
      %dma_start3A_205 = tpu.memref_squeeze %dma_start3A_204 : memref<1x!tpu.dma_semaphore, #tpu.memory_space<semaphore_mem>> -> memref<!tpu.dma_semaphore, #tpu.memory_space<semaphore_mem>>
      %dma_start3A_206 = arith.constant 0 : i32
      %dma_start3A_207 = arith.constant 0 : i32
      %dma_start3A_208 = tpu.memref_slice %arg15[%select_n3A_182, %dma_start3A_206, %dma_start3A_207] : memref<4x64x128xf32, #tpu.memory_space<vmem>> -> memref<1x64x128xf32, #tpu.memory_space<vmem>>
      %dma_start3A_209 = tpu.memref_squeeze %dma_start3A_208 : memref<1x64x128xf32, #tpu.memory_space<vmem>> -> memref<64x128xf32, #tpu.memory_space<vmem>>
      %dma_start3A_210 = arith.constant 0 : i32
      %dma_start3A_211 = tpu.memref_slice %arg8[%dma_start3A_210, %multiple_of3A] : memref<64x1000001xf32, #tpu.memory_space<hbm>> -> memref<64x128xf32, #tpu.memory_space<hbm>>
      tpu.enqueue_dma source(%dma_start3A_211 : memref<64x128xf32, #tpu.memory_space<hbm>>) target(%dma_start3A_209 : memref<64x128xf32, #tpu.memory_space<vmem>>) target_semaphore(%dma_start3A_205 : memref<!tpu.dma_semaphore, #tpu.memory_space<semaphore_mem>>)
    } else {
    }
    %lt3A_47 = arith.constant 2 : i32
    %lt3A_48 = arith.cmpi slt, %lt3A_47, %sub3A : i32
    %add3A_49 = arith.constant 2 : i32
    %add3A_50 = arith.addi %mul3A_2, %add3A_49 : i32
    %add3A_51 = arith.constant 1 : i32
    %add3A_52 = arith.addi %add3A_50, %add3A_51 : i32
    %get3A_53 = arith.index_cast %add3A_52 : i32 to index
    %get3A_54 = tpu.vector_load %arg13[%get3A_53] {strides = array<i32>} : memref<7830xi32, #tpu.memory_space<vmem>>, vector<16xi32>,
    %slice3A_55 = vector.extract_strided_slice %get3A_54 {offsets = [0], sizes = [1], strides = [1]} : vector<16xi32> to vector<1xi32>
    %squeeze3A_56 = vector.extract %slice3A_55[0] : i32 from vector<1xi32>
    %get3A_57 = arith.index_cast %add3A_50 : i32 to index
    %get3A_58 = tpu.vector_load %arg13[%get3A_57] {strides = array<i32>} : memref<7830xi32, #tpu.memory_space<vmem>>, vector<16xi32>,
    %slice3A_59 = vector.extract_strided_slice %get3A_58 {offsets = [0], sizes = [1], strides = [1]} : vector<16xi32> to vector<1xi32>
    %squeeze3A_60 = vector.extract %slice3A_59[0] : i32 from vector<1xi32>
    %gt3A_61 = arith.cmpi sgt, %squeeze3A_56, %squeeze3A_60 : i32
    %and3A_62 = arith.andi %lt3A_48, %gt3A_61 : i1
    %convert_element_type3A_63 = arith.extui %and3A_62 : i1 to i32
    %cond3A_64 = arith.constant 2 : i32
    %cond3A_65 = arith.constant 0 : i32
    %cond3A_66 = arith.cmpi ne, %convert_element_type3A_63, %cond3A_65 : i32
    scf.if %cond3A_66 {
      %add3A_169 = arith.addi %mul3A_2, %cond3A_64 : i32
      %mul3A_170 = arith.constant 128 : i32
      %mul3A_171 = arith.muli %add3A_169, %mul3A_170 : i32
      %multiple_of3A = tpu.assume_multiple %mul3A_171, 128 : i32
      %jit3A = arith.constant 4 : i32
      %eq3A = arith.constant 0 : i32
      %eq3A_172 = arith.cmpi eq, %jit3A, %eq3A : i32
      %jit3A_173 = arith.constant 1 : i32
      %select_n3A = arith.select %eq3A_172, %jit3A_173, %jit3A : i32
      %rem3A = arith.remsi %cond3A_64, %select_n3A : i32
      %ne3A = arith.constant 0 : i32
      %ne3A_174 = arith.cmpi ne, %rem3A, %ne3A : i32
      %lt3A_175 = arith.constant 0 : i32
      %lt3A_176 = arith.cmpi slt, %rem3A, %lt3A_175 : i32
      %lt3A_177 = arith.constant 0 : i32
      %lt3A_178 = arith.cmpi slt, %select_n3A, %lt3A_177 : i32
      %ne3A_179 = arith.xori %lt3A_176, %lt3A_178 : i1
      %and3A_180 = arith.andi %ne3A_179, %ne3A_174 : i1
      %add3A_181 = arith.addi %rem3A, %select_n3A : i32
      %select_n3A_182 = arith.select %and3A_180, %add3A_181, %rem3A : i32
      %jit3A_183 = arith.constant 4 : i32
      %eq3A_184 = arith.constant 0 : i32
      %eq3A_185 = arith.cmpi eq, %jit3A_183, %eq3A_184 : i32
      %jit3A_186 = arith.constant 1 : i32
      %select_n3A_187 = arith.select %eq3A_185, %jit3A_186, %jit3A_183 : i32
      %rem3A_188 = arith.remsi %cond3A_64, %select_n3A_187 : i32
      %ne3A_189 = arith.constant 0 : i32
      %ne3A_190 = arith.cmpi ne, %rem3A_188, %ne3A_189 : i32
      %lt3A_191 = arith.constant 0 : i32
      %lt3A_192 = arith.cmpi slt, %rem3A_188, %lt3A_191 : i32
      %lt3A_193 = arith.constant 0 : i32
      %lt3A_194 = arith.cmpi slt, %select_n3A_187, %lt3A_193 : i32
      %ne3A_195 = arith.xori %lt3A_192, %lt3A_194 : i1
      %and3A_196 = arith.andi %ne3A_195, %ne3A_190 : i1
      %add3A_197 = arith.addi %rem3A_188, %select_n3A_187 : i32
      %select_n3A_198 = arith.select %and3A_196, %add3A_197, %rem3A_188 : i32
      %dma_start3A = arith.constant 0 : i32
      %dma_start3A_199 = arith.constant 0 : i32
      %dma_start3A_200 = tpu.memref_slice %arg15[%select_n3A_182, %dma_start3A, %dma_start3A_199] : memref<4x64x128xf32, #tpu.memory_space<vmem>> -> memref<1x64x128xf32, #tpu.memory_space<vmem>>
      %dma_start3A_201 = tpu.memref_squeeze %dma_start3A_200 : memref<1x64x128xf32, #tpu.memory_space<vmem>> -> memref<64x128xf32, #tpu.memory_space<vmem>>
      %dma_start3A_202 = arith.constant 0 : i32
      %dma_start3A_203 = tpu.memref_slice %arg8[%dma_start3A_202, %multiple_of3A] : memref<64x1000001xf32, #tpu.memory_space<hbm>> -> memref<64x128xf32, #tpu.memory_space<hbm>>
      %dma_start3A_204 = tpu.memref_slice %arg18[%select_n3A_198] : memref<4x!tpu.dma_semaphore, #tpu.memory_space<semaphore_mem>> -> memref<1x!tpu.dma_semaphore, #tpu.memory_space<semaphore_mem>>
      %dma_start3A_205 = tpu.memref_squeeze %dma_start3A_204 : memref<1x!tpu.dma_semaphore, #tpu.memory_space<semaphore_mem>> -> memref<!tpu.dma_semaphore, #tpu.memory_space<semaphore_mem>>
      %dma_start3A_206 = arith.constant 0 : i32
      %dma_start3A_207 = arith.constant 0 : i32
      %dma_start3A_208 = tpu.memref_slice %arg15[%select_n3A_182, %dma_start3A_206, %dma_start3A_207] : memref<4x64x128xf32, #tpu.memory_space<vmem>> -> memref<1x64x128xf32, #tpu.memory_space<vmem>>
      %dma_start3A_209 = tpu.memref_squeeze %dma_start3A_208 : memref<1x64x128xf32, #tpu.memory_space<vmem>> -> memref<64x128xf32, #tpu.memory_space<vmem>>
      %dma_start3A_210 = arith.constant 0 : i32
      %dma_start3A_211 = tpu.memref_slice %arg8[%dma_start3A_210, %multiple_of3A] : memref<64x1000001xf32, #tpu.memory_space<hbm>> -> memref<64x128xf32, #tpu.memory_space<hbm>>
      tpu.enqueue_dma source(%dma_start3A_211 : memref<64x128xf32, #tpu.memory_space<hbm>>) target(%dma_start3A_209 : memref<64x128xf32, #tpu.memory_space<vmem>>) target_semaphore(%dma_start3A_205 : memref<!tpu.dma_semaphore, #tpu.memory_space<semaphore_mem>>)
    } else {
    }
    %scan3A = arith.constant 0 : i32
    %scan3A_67 = arith.constant 0 : i32
    %scan3A_68 = arith.constant 245 : i32
    %scan3A_69 = arith.addi %scan3A_67, %scan3A_68 : i32
    %scan3A_70 = arith.constant 1 : i32
    %scan3A_71 = scf.for %scan3A_169 = %scan3A_67 to %scan3A_69 step %scan3A_70 iter_args(%scan3A_170 = %scan3A) -> (i32)  : i32 {
      %add3A_171 = arith.addi %mul3A_2, %scan3A_169 : i32
      %lt3A_172 = arith.constant 7813 : i32
      %lt3A_173 = arith.cmpi slt, %add3A_171, %lt3A_172 : i32
      %convert_element_type3A_174 = arith.extui %lt3A_173 : i1 to i32
      %cond3A_175 = arith.constant 0 : i32
      %cond3A_176 = arith.cmpi ne, %convert_element_type3A_174, %cond3A_175 : i32
      %cond3A_177 = scf.if %cond3A_176 -> (i32) {
        %jit3A = arith.constant 4 : i32
        %eq3A = arith.constant 0 : i32
        %eq3A_179 = arith.cmpi eq, %jit3A, %eq3A : i32
        %jit3A_180 = arith.constant 1 : i32
        %select_n3A = arith.select %eq3A_179, %jit3A_180, %jit3A : i32
        %rem3A = arith.remsi %scan3A_169, %select_n3A : i32
        %ne3A = arith.constant 0 : i32
        %ne3A_181 = arith.cmpi ne, %rem3A, %ne3A : i32
        %lt3A_182 = arith.constant 0 : i32
        %lt3A_183 = arith.cmpi slt, %rem3A, %lt3A_182 : i32
        %lt3A_184 = arith.constant 0 : i32
        %lt3A_185 = arith.cmpi slt, %select_n3A, %lt3A_184 : i32
        %ne3A_186 = arith.xori %lt3A_183, %lt3A_185 : i1
        %and3A_187 = arith.andi %ne3A_186, %ne3A_181 : i1
        %add3A_188 = arith.addi %rem3A, %select_n3A : i32
        %select_n3A_189 = arith.select %and3A_187, %add3A_188, %rem3A : i32
        %add3A_190 = arith.constant 4 : i32
        %add3A_191 = arith.addi %scan3A_169, %add3A_190 : i32
        %sub3A_192 = arith.constant 1 : i32
        %sub3A_193 = arith.subi %add3A_191, %sub3A_192 : i32
        %lt3A_194 = arith.cmpi slt, %sub3A_193, %sub3A : i32
        %add3A_195 = arith.addi %mul3A_2, %sub3A_193 : i32
        %add3A_196 = arith.constant 1 : i32
        %add3A_197 = arith.addi %add3A_195, %add3A_196 : i32
        %get3A_198 = arith.index_cast %add3A_197 : i32 to index
        %get3A_199 = tpu.vector_load %arg13[%get3A_198] {strides = array<i32>} : memref<7830xi32, #tpu.memory_space<vmem>>, vector<16xi32>,
        %slice3A_200 = vector.extract_strided_slice %get3A_199 {offsets = [0], sizes = [1], strides = [1]} : vector<16xi32> to vector<1xi32>
        %squeeze3A_201 = vector.extract %slice3A_200[0] : i32 from vector<1xi32>
        %get3A_202 = arith.index_cast %add3A_195 : i32 to index
        %get3A_203 = tpu.vector_load %arg13[%get3A_202] {strides = array<i32>} : memref<7830xi32, #tpu.memory_space<vmem>>, vector<16xi32>,
        %slice3A_204 = vector.extract_strided_slice %get3A_203 {offsets = [0], sizes = [1], strides = [1]} : vector<16xi32> to vector<1xi32>
        %squeeze3A_205 = vector.extract %slice3A_204[0] : i32 from vector<1xi32>
        %gt3A_206 = arith.cmpi sgt, %squeeze3A_201, %squeeze3A_205 : i32
        %and3A_207 = arith.andi %lt3A_194, %gt3A_206 : i1
        %convert_element_type3A_208 = arith.extui %and3A_207 : i1 to i32
        %cond3A_209 = arith.constant 0 : i32
        %cond3A_210 = arith.cmpi ne, %convert_element_type3A_208, %cond3A_209 : i32
        scf.if %cond3A_210 {
          %add3A_236 = arith.addi %mul3A_2, %sub3A_193 : i32
          %mul3A_237 = arith.constant 128 : i32
          %mul3A_238 = arith.muli %add3A_236, %mul3A_237 : i32
          %multiple_of3A = tpu.assume_multiple %mul3A_238, 128 : i32
          %jit3A_239 = arith.constant 4 : i32
          %eq3A_240 = arith.constant 0 : i32
          %eq3A_241 = arith.cmpi eq, %jit3A_239, %eq3A_240 : i32
          %jit3A_242 = arith.constant 1 : i32
          %select_n3A_243 = arith.select %eq3A_241, %jit3A_242, %jit3A_239 : i32
          %rem3A_244 = arith.remsi %sub3A_193, %select_n3A_243 : i32
          %ne3A_245 = arith.constant 0 : i32
          %ne3A_246 = arith.cmpi ne, %rem3A_244, %ne3A_245 : i32
          %lt3A_247 = arith.constant 0 : i32
          %lt3A_248 = arith.cmpi slt, %rem3A_244, %lt3A_247 : i32
          %lt3A_249 = arith.constant 0 : i32
          %lt3A_250 = arith.cmpi slt, %select_n3A_243, %lt3A_249 : i32
          %ne3A_251 = arith.xori %lt3A_248, %lt3A_250 : i1
          %and3A_252 = arith.andi %ne3A_251, %ne3A_246 : i1
          %add3A_253 = arith.addi %rem3A_244, %select_n3A_243 : i32
          %select_n3A_254 = arith.select %and3A_252, %add3A_253, %rem3A_244 : i32
          %jit3A_255 = arith.constant 4 : i32
          %eq3A_256 = arith.constant 0 : i32
          %eq3A_257 = arith.cmpi eq, %jit3A_255, %eq3A_256 : i32
          %jit3A_258 = arith.constant 1 : i32
          %select_n3A_259 = arith.select %eq3A_257, %jit3A_258, %jit3A_255 : i32
          %rem3A_260 = arith.remsi %sub3A_193, %select_n3A_259 : i32
          %ne3A_261 = arith.constant 0 : i32
          %ne3A_262 = arith.cmpi ne, %rem3A_260, %ne3A_261 : i32
          %lt3A_263 = arith.constant 0 : i32
          %lt3A_264 = arith.cmpi slt, %rem3A_260, %lt3A_263 : i32
          %lt3A_265 = arith.constant 0 : i32
          %lt3A_266 = arith.cmpi slt, %select_n3A_259, %lt3A_265 : i32
          %ne3A_267 = arith.xori %lt3A_264, %lt3A_266 : i1
          %and3A_268 = arith.andi %ne3A_267, %ne3A_262 : i1
          %add3A_269 = arith.addi %rem3A_260, %select_n3A_259 : i32
          %select_n3A_270 = arith.select %and3A_268, %add3A_269, %rem3A_260 : i32
          %dma_start3A = arith.constant 0 : i32
          %dma_start3A_271 = arith.constant 0 : i32
          %dma_start3A_272 = tpu.memref_slice %arg15[%select_n3A_254, %dma_start3A, %dma_start3A_271] : memref<4x64x128xf32, #tpu.memory_space<vmem>> -> memref<1x64x128xf32, #tpu.memory_space<vmem>>
          %dma_start3A_273 = tpu.memref_squeeze %dma_start3A_272 : memref<1x64x128xf32, #tpu.memory_space<vmem>> -> memref<64x128xf32, #tpu.memory_space<vmem>>
          %dma_start3A_274 = arith.constant 0 : i32
          %dma_start3A_275 = tpu.memref_slice %arg8[%dma_start3A_274, %multiple_of3A] : memref<64x1000001xf32, #tpu.memory_space<hbm>> -> memref<64x128xf32, #tpu.memory_space<hbm>>
          %dma_start3A_276 = tpu.memref_slice %arg18[%select_n3A_270] : memref<4x!tpu.dma_semaphore, #tpu.memory_space<semaphore_mem>> -> memref<1x!tpu.dma_semaphore, #tpu.memory_space<semaphore_mem>>
          %dma_start3A_277 = tpu.memref_squeeze %dma_start3A_276 : memref<1x!tpu.dma_semaphore, #tpu.memory_space<semaphore_mem>> -> memref<!tpu.dma_semaphore, #tpu.memory_space<semaphore_mem>>
          %dma_start3A_278 = arith.constant 0 : i32
          %dma_start3A_279 = arith.constant 0 : i32
          %dma_start3A_280 = tpu.memref_slice %arg15[%select_n3A_254, %dma_start3A_278, %dma_start3A_279] : memref<4x64x128xf32, #tpu.memory_space<vmem>> -> memref<1x64x128xf32, #tpu.memory_space<vmem>>
          %dma_start3A_281 = tpu.memref_squeeze %dma_start3A_280 : memref<1x64x128xf32, #tpu.memory_space<vmem>> -> memref<64x128xf32, #tpu.memory_space<vmem>>
          %dma_start3A_282 = arith.constant 0 : i32
          %dma_start3A_283 = tpu.memref_slice %arg8[%dma_start3A_282, %multiple_of3A] : memref<64x1000001xf32, #tpu.memory_space<hbm>> -> memref<64x128xf32, #tpu.memory_space<hbm>>
          tpu.enqueue_dma source(%dma_start3A_283 : memref<64x128xf32, #tpu.memory_space<hbm>>) target(%dma_start3A_281 : memref<64x128xf32, #tpu.memory_space<vmem>>) target_semaphore(%dma_start3A_277 : memref<!tpu.dma_semaphore, #tpu.memory_space<semaphore_mem>>)
        } else {
        }
        %get3A_211 = arith.index_cast %add3A_171 : i32 to index
        %get3A_212 = tpu.vector_load %arg13[%get3A_211] {strides = array<i32>} : memref<7830xi32, #tpu.memory_space<vmem>>, vector<16xi32>,
        %slice3A_213 = vector.extract_strided_slice %get3A_212 {offsets = [0], sizes = [1], strides = [1]} : vector<16xi32> to vector<1xi32>
        %squeeze3A_214 = vector.extract %slice3A_213[0] : i32 from vector<1xi32>
        %add3A_215 = arith.constant 1 : i32
        %add3A_216 = arith.addi %add3A_171, %add3A_215 : i32
        %get3A_217 = arith.index_cast %add3A_216 : i32 to index
        %get3A_218 = tpu.vector_load %arg13[%get3A_217] {strides = array<i32>} : memref<7830xi32, #tpu.memory_space<vmem>>, vector<16xi32>,
        %slice3A_219 = vector.extract_strided_slice %get3A_218 {offsets = [0], sizes = [1], strides = [1]} : vector<16xi32> to vector<1xi32>
        %squeeze3A_220 = vector.extract %slice3A_219[0] : i32 from vector<1xi32>
        %gt3A_221 = arith.cmpi sgt, %squeeze3A_220, %squeeze3A_214 : i32
        %convert_element_type3A_222 = arith.extui %gt3A_221 : i1 to i32
        %cond3A_223 = arith.constant 0 : i32
        %cond3A_224 = arith.cmpi ne, %convert_element_type3A_222, %cond3A_223 : i32
        scf.if %cond3A_224 {
          %jit3A_236 = arith.constant 4 : i32
          %eq3A_237 = arith.constant 0 : i32
          %eq3A_238 = arith.cmpi eq, %jit3A_236, %eq3A_237 : i32
          %jit3A_239 = arith.constant 1 : i32
          %select_n3A_240 = arith.select %eq3A_238, %jit3A_239, %jit3A_236 : i32
          %rem3A_241 = arith.remsi %scan3A_169, %select_n3A_240 : i32
          %ne3A_242 = arith.constant 0 : i32
          %ne3A_243 = arith.cmpi ne, %rem3A_241, %ne3A_242 : i32
          %lt3A_244 = arith.constant 0 : i32
          %lt3A_245 = arith.cmpi slt, %rem3A_241, %lt3A_244 : i32
          %lt3A_246 = arith.constant 0 : i32
          %lt3A_247 = arith.cmpi slt, %select_n3A_240, %lt3A_246 : i32
          %ne3A_248 = arith.xori %lt3A_245, %lt3A_247 : i1
          %and3A_249 = arith.andi %ne3A_248, %ne3A_243 : i1
          %add3A_250 = arith.addi %rem3A_241, %select_n3A_240 : i32
          %select_n3A_251 = arith.select %and3A_249, %add3A_250, %rem3A_241 : i32
          %dma_wait3A = arith.constant 0 : i32
          %dma_wait3A_252 = arith.constant 0 : i32
          %dma_wait3A_253 = tpu.memref_slice %arg15[%select_n3A_189, %dma_wait3A, %dma_wait3A_252] : memref<4x64x128xf32, #tpu.memory_space<vmem>> -> memref<1x64x128xf32, #tpu.memory_space<vmem>>
          %dma_wait3A_254 = tpu.memref_squeeze %dma_wait3A_253 : memref<1x64x128xf32, #tpu.memory_space<vmem>> -> memref<64x128xf32, #tpu.memory_space<vmem>>
          %dma_wait3A_255 = arith.constant 0 : i32
          %dma_wait3A_256 = arith.constant 0 : i32
          %dma_wait3A_257 = tpu.memref_slice %arg8[%dma_wait3A_255, %dma_wait3A_256] : memref<64x1000001xf32, #tpu.memory_space<hbm>> -> memref<64x128xf32, #tpu.memory_space<hbm>>
          %dma_wait3A_258 = tpu.memref_slice %arg18[%select_n3A_251] : memref<4x!tpu.dma_semaphore, #tpu.memory_space<semaphore_mem>> -> memref<1x!tpu.dma_semaphore, #tpu.memory_space<semaphore_mem>>
          %dma_wait3A_259 = tpu.memref_squeeze %dma_wait3A_258 : memref<1x!tpu.dma_semaphore, #tpu.memory_space<semaphore_mem>> -> memref<!tpu.dma_semaphore, #tpu.memory_space<semaphore_mem>>
          %dma_wait3A_260 = arith.constant 0 : i32
          %dma_wait3A_261 = arith.constant 0 : i32
          %dma_wait3A_262 = tpu.memref_slice %arg15[%select_n3A_189, %dma_wait3A_260, %dma_wait3A_261] : memref<4x64x128xf32, #tpu.memory_space<vmem>> -> memref<1x64x128xf32, #tpu.memory_space<vmem>>
          %dma_wait3A_263 = tpu.memref_squeeze %dma_wait3A_262 : memref<1x64x128xf32, #tpu.memory_space<vmem>> -> memref<64x128xf32, #tpu.memory_space<vmem>>
          %dma_wait3A_264 = arith.constant 0 : i32
          %dma_wait3A_265 = arith.constant 0 : i32
          %dma_wait3A_266 = tpu.memref_slice %arg8[%dma_wait3A_264, %dma_wait3A_265] : memref<64x1000001xf32, #tpu.memory_space<hbm>> -> memref<64x128xf32, #tpu.memory_space<hbm>>
          tpu.wait_dma2 semaphore(%dma_wait3A_259 : memref<!tpu.dma_semaphore, #tpu.memory_space<semaphore_mem>>) src(%dma_wait3A_266 : memref<64x128xf32, #tpu.memory_space<hbm>>) dst(%dma_wait3A_263 : memref<64x128xf32, #tpu.memory_space<vmem>>)
        } else {
        }
        %sub3A_225 = arith.subi %squeeze3A_220, %squeeze3A_214 : i32
        %while3A = arith.constant 0 : i32
        %while3A_226 = arith.constant 0 : i32
        %while3A_227 = arith.subi %sub3A_225, %while3A_226 : i32
        %while3A_228 = arith.addi %while3A_226, %while3A_227 : i32
        %while3A_229 = arith.constant 1 : i32
        %while3A_230 = arith.divsi %while3A_227, %while3A_229 : i32
        %while3A_231 = arith.muli %while3A_230, %while3A_229 : i32
        %while3A_232 = arith.addi %while3A_226, %while3A_231 : i32
        %while3A_233 = arith.constant 1 : i32
        scf.for %while3A_236 = %while3A_226 to %while3A_232 step %while3A_233  : i32 {
          %add3A_237 = arith.addi %squeeze3A_214, %while3A_236 : i32
          %get3A_238 = arith.index_cast %add3A_237 : i32 to index
          %get3A_239 = tpu.vector_load %arg11[%get3A_238] {strides = array<i32>} : memref<32784xi32, #tpu.memory_space<vmem>>, vector<16xi32>,
          %slice3A_240 = vector.extract_strided_slice %get3A_239 {offsets = [0], sizes = [1], strides = [1]} : vector<16xi32> to vector<1xi32>
          %squeeze3A_241 = vector.extract %slice3A_240[0] : i32 from vector<1xi32>
          %get3A_242 = arith.index_cast %add3A_237 : i32 to index
          %get3A_243 = tpu.vector_load %arg12[%get3A_242] {strides = array<i32>} : memref<32784xi32, #tpu.memory_space<vmem>>, vector<16xi32>,
          %slice3A_244 = vector.extract_strided_slice %get3A_243 {offsets = [0], sizes = [1], strides = [1]} : vector<16xi32> to vector<1xi32>
          %squeeze3A_245 = vector.extract %slice3A_244[0] : i32 from vector<1xi32>
          %and3A_246 = arith.constant 127 : i32
          %and3A_247 = arith.andi %squeeze3A_241, %and3A_246 : i32
          %broadcast_in_dim3A = vector.broadcast %and3A_247 : i32 to vector<16xi32>
          %add3A_248 = arith.addi %scan3A_170, %while3A_236 : i32
          %jit3A_249 = arith.constant 8 : i32
          %eq3A_250 = arith.constant 0 : i32
          %eq3A_251 = arith.cmpi eq, %jit3A_249, %eq3A_250 : i32
          %jit3A_252 = arith.constant 1 : i32
          %select_n3A_253 = arith.select %eq3A_251, %jit3A_252, %jit3A_249 : i32
          %rem3A_254 = arith.remsi %add3A_248, %select_n3A_253 : i32
          %ne3A_255 = arith.constant 0 : i32
          %ne3A_256 = arith.cmpi ne, %rem3A_254, %ne3A_255 : i32
          %lt3A_257 = arith.constant 0 : i32
          %lt3A_258 = arith.cmpi slt, %rem3A_254, %lt3A_257 : i32
          %lt3A_259 = arith.constant 0 : i32
          %lt3A_260 = arith.cmpi slt, %select_n3A_253, %lt3A_259 : i32
          %ne3A_261 = arith.xori %lt3A_258, %lt3A_260 : i1
          %and3A_262 = arith.andi %ne3A_261, %ne3A_256 : i1
          %add3A_263 = arith.addi %rem3A_254, %select_n3A_253 : i32
          %select_n3A_264 = arith.select %and3A_262, %add3A_263, %rem3A_254 : i32
          %add3A_265 = arith.addi %scan3A_170, %while3A_236 : i32
          %ge3A = arith.constant 8 : i32
          %ge3A_266 = arith.cmpi sge, %add3A_265, %ge3A : i32
          %convert_element_type3A_267 = arith.extui %ge3A_266 : i1 to i32
          %cond3A_268 = arith.constant 0 : i32
          %cond3A_269 = arith.cmpi ne, %convert_element_type3A_267, %cond3A_268 : i32
          scf.if %cond3A_269 {
            %dma_wait3A = arith.constant 0 : i32
            %dma_wait3A_347 = arith.constant 0 : i32
            %dma_wait3A_348 = tpu.memref_slice %arg16[%select_n3A_264, %dma_wait3A, %dma_wait3A_347] : memref<8x1x64xf32, #tpu.memory_space<vmem>> -> memref<1x1x64xf32, #tpu.memory_space<vmem>>
            %dma_wait3A_349 = tpu.memref_squeeze %dma_wait3A_348 : memref<1x1x64xf32, #tpu.memory_space<vmem>> -> memref<1x64xf32, #tpu.memory_space<vmem>>
            %dma_wait3A_350 = arith.constant 0 : i32
            %dma_wait3A_351 = arith.constant 0 : i32
            %dma_wait3A_352 = tpu.memref_slice %arg10[%dma_wait3A_350, %dma_wait3A_351] : memref<49152x64xf32, #tpu.memory_space<hbm>> -> memref<1x64xf32, #tpu.memory_space<hbm>>
            %dma_wait3A_353 = tpu.memref_slice %arg17[%select_n3A_264] : memref<8x!tpu.dma_semaphore, #tpu.memory_space<semaphore_mem>> -> memref<1x!tpu.dma_semaphore, #tpu.memory_space<semaphore_mem>>
            %dma_wait3A_354 = tpu.memref_squeeze %dma_wait3A_353 : memref<1x!tpu.dma_semaphore, #tpu.memory_space<semaphore_mem>> -> memref<!tpu.dma_semaphore, #tpu.memory_space<semaphore_mem>>
            %dma_wait3A_355 = arith.constant 0 : i32
            %dma_wait3A_356 = arith.constant 0 : i32
            %dma_wait3A_357 = tpu.memref_slice %arg10[%dma_wait3A_355, %dma_wait3A_356] : memref<49152x64xf32, #tpu.memory_space<hbm>> -> memref<1x64xf32, #tpu.memory_space<hbm>>
            %dma_wait3A_358 = arith.constant 0 : i32
            %dma_wait3A_359 = arith.constant 0 : i32
            %dma_wait3A_360 = tpu.memref_slice %arg16[%select_n3A_264, %dma_wait3A_358, %dma_wait3A_359] : memref<8x1x64xf32, #tpu.memory_space<vmem>> -> memref<1x1x64xf32, #tpu.memory_space<vmem>>
            %dma_wait3A_361 = tpu.memref_squeeze %dma_wait3A_360 : memref<1x1x64xf32, #tpu.memory_space<vmem>> -> memref<1x64xf32, #tpu.memory_space<vmem>>
            tpu.wait_dma2 semaphore(%dma_wait3A_354 : memref<!tpu.dma_semaphore, #tpu.memory_space<semaphore_mem>>) src(%dma_wait3A_361 : memref<1x64xf32, #tpu.memory_space<vmem>>) dst(%dma_wait3A_357 : memref<1x64xf32, #tpu.memory_space<hbm>>)
          } else {
          }
          %add3A_270 = arith.constant 0 : i32
          %add3A_271 = vector.broadcast %add3A_270 : i32 to vector<16xi32>
          %add3A_272 = arith.addi %iota3A, %add3A_271 : vector<16xi32>
          %gather3A = arith.constant 0 : i32
          %gather3A_273 = arith.constant 0 : i32
          %gather3A_274 = tpu.memref_slice %arg15[%select_n3A_189, %gather3A, %gather3A_273] : memref<4x64x128xf32, #tpu.memory_space<vmem>> -> memref<1x64x128xf32, #tpu.memory_space<vmem>>
          %gather3A_275 = tpu.memref_squeeze %gather3A_274 : memref<1x64x128xf32, #tpu.memory_space<vmem>> -> memref<64x128xf32, #tpu.memory_space<vmem>>
          %gather3A_276 = tpu.vector_load_idx %gather3A_275[%add3A_272, %broadcast_in_dim3A] : memref<64x128xf32, #tpu.memory_space<vmem>>[vector<16xi32>, vector<16xi32>], vector<16xf32>,
          %swap3A = arith.constant 0 : i32
          %swap3A_277 = arith.constant 0 : i32
          %swap3A_278 = arith.constant 0 : i32
          %swap3A_279 = tpu.memref_slice %arg16[%select_n3A_264, %swap3A_277, %swap3A_278] : memref<8x1x64xf32, #tpu.memory_space<vmem>> -> memref<1x1x64xf32, #tpu.memory_space<vmem>>
          %swap3A_280 = tpu.memref_squeeze %swap3A_279 : memref<1x1x64xf32, #tpu.memory_space<vmem>> -> memref<1x64xf32, #tpu.memory_space<vmem>>
          %swap3A_281 = arith.index_cast %swap3A : i32 to index
          %swap3A_282 = arith.constant 0 : index
          %swap3A_283 = tpu.vector_load %swap3A_280[%swap3A_281, %swap3A_282] {strides = array<i32>} : memref<1x64xf32, #tpu.memory_space<vmem>>, vector<16xf32>,
          tpu.vector_store %swap3A_280[%swap3A_281, %swap3A_282], %gather3A_276 {strides = array<i32>} : memref<1x64xf32, #tpu.memory_space<vmem>>, vector<16xf32>,
          %add3A_284 = arith.constant 16 : i32
          %add3A_285 = vector.broadcast %add3A_284 : i32 to vector<16xi32>
          %add3A_286 = arith.addi %iota3A, %add3A_285 : vector<16xi32>
          %gather3A_287 = arith.constant 0 : i32
          %gather3A_288 = arith.constant 0 : i32
          %gather3A_289 = tpu.memref_slice %arg15[%select_n3A_189, %gather3A_287, %gather3A_288] : memref<4x64x128xf32, #tpu.memory_space<vmem>> -> memref<1x64x128xf32, #tpu.memory_space<vmem>>
          %gather3A_290 = tpu.memref_squeeze %gather3A_289 : memref<1x64x128xf32, #tpu.memory_space<vmem>> -> memref<64x128xf32, #tpu.memory_space<vmem>>
          %gather3A_291 = tpu.vector_load_idx %gather3A_290[%add3A_286, %broadcast_in_dim3A] : memref<64x128xf32, #tpu.memory_space<vmem>>[vector<16xi32>, vector<16xi32>], vector<16xf32>,
          %swap3A_292 = arith.constant 0 : i32
          %swap3A_293 = arith.constant 0 : i32
          %swap3A_294 = arith.constant 0 : i32
          %swap3A_295 = tpu.memref_slice %arg16[%select_n3A_264, %swap3A_293, %swap3A_294] : memref<8x1x64xf32, #tpu.memory_space<vmem>> -> memref<1x1x64xf32, #tpu.memory_space<vmem>>
          %swap3A_296 = tpu.memref_squeeze %swap3A_295 : memref<1x1x64xf32, #tpu.memory_space<vmem>> -> memref<1x64xf32, #tpu.memory_space<vmem>>
          %swap3A_297 = arith.index_cast %swap3A_292 : i32 to index
          %swap3A_298 = arith.constant 16 : index
          %swap3A_299 = tpu.vector_load %swap3A_296[%swap3A_297, %swap3A_298] {strides = array<i32>} : memref<1x64xf32, #tpu.memory_space<vmem>>, vector<16xf32>,
          tpu.vector_store %swap3A_296[%swap3A_297, %swap3A_298], %gather3A_291 {strides = array<i32>} : memref<1x64xf32, #tpu.memory_space<vmem>>, vector<16xf32>,
          %add3A_300 = arith.constant 32 : i32
          %add3A_301 = vector.broadcast %add3A_300 : i32 to vector<16xi32>
          %add3A_302 = arith.addi %iota3A, %add3A_301 : vector<16xi32>
          %gather3A_303 = arith.constant 0 : i32
          %gather3A_304 = arith.constant 0 : i32
          %gather3A_305 = tpu.memref_slice %arg15[%select_n3A_189, %gather3A_303, %gather3A_304] : memref<4x64x128xf32, #tpu.memory_space<vmem>> -> memref<1x64x128xf32, #tpu.memory_space<vmem>>
          %gather3A_306 = tpu.memref_squeeze %gather3A_305 : memref<1x64x128xf32, #tpu.memory_space<vmem>> -> memref<64x128xf32, #tpu.memory_space<vmem>>
          %gather3A_307 = tpu.vector_load_idx %gather3A_306[%add3A_302, %broadcast_in_dim3A] : memref<64x128xf32, #tpu.memory_space<vmem>>[vector<16xi32>, vector<16xi32>], vector<16xf32>,
          %swap3A_308 = arith.constant 0 : i32
          %swap3A_309 = arith.constant 0 : i32
          %swap3A_310 = arith.constant 0 : i32
          %swap3A_311 = tpu.memref_slice %arg16[%select_n3A_264, %swap3A_309, %swap3A_310] : memref<8x1x64xf32, #tpu.memory_space<vmem>> -> memref<1x1x64xf32, #tpu.memory_space<vmem>>
          %swap3A_312 = tpu.memref_squeeze %swap3A_311 : memref<1x1x64xf32, #tpu.memory_space<vmem>> -> memref<1x64xf32, #tpu.memory_space<vmem>>
          %swap3A_313 = arith.index_cast %swap3A_308 : i32 to index
          %swap3A_314 = arith.constant 32 : index
          %swap3A_315 = tpu.vector_load %swap3A_312[%swap3A_313, %swap3A_314] {strides = array<i32>} : memref<1x64xf32, #tpu.memory_space<vmem>>, vector<16xf32>,
          tpu.vector_store %swap3A_312[%swap3A_313, %swap3A_314], %gather3A_307 {strides = array<i32>} : memref<1x64xf32, #tpu.memory_space<vmem>>, vector<16xf32>,
          %add3A_316 = arith.constant 48 : i32
          %add3A_317 = vector.broadcast %add3A_316 : i32 to vector<16xi32>
          %add3A_318 = arith.addi %iota3A, %add3A_317 : vector<16xi32>
          %gather3A_319 = arith.constant 0 : i32
          %gather3A_320 = arith.constant 0 : i32
          %gather3A_321 = tpu.memref_slice %arg15[%select_n3A_189, %gather3A_319, %gather3A_320] : memref<4x64x128xf32, #tpu.memory_space<vmem>> -> memref<1x64x128xf32, #tpu.memory_space<vmem>>
          %gather3A_322 = tpu.memref_squeeze %gather3A_321 : memref<1x64x128xf32, #tpu.memory_space<vmem>> -> memref<64x128xf32, #tpu.memory_space<vmem>>
          %gather3A_323 = tpu.vector_load_idx %gather3A_322[%add3A_318, %broadcast_in_dim3A] : memref<64x128xf32, #tpu.memory_space<vmem>>[vector<16xi32>, vector<16xi32>], vector<16xf32>,
          %swap3A_324 = arith.constant 0 : i32
          %swap3A_325 = arith.constant 0 : i32
          %swap3A_326 = arith.constant 0 : i32
          %swap3A_327 = tpu.memref_slice %arg16[%select_n3A_264, %swap3A_325, %swap3A_326] : memref<8x1x64xf32, #tpu.memory_space<vmem>> -> memref<1x1x64xf32, #tpu.memory_space<vmem>>
          %swap3A_328 = tpu.memref_squeeze %swap3A_327 : memref<1x1x64xf32, #tpu.memory_space<vmem>> -> memref<1x64xf32, #tpu.memory_space<vmem>>
          %swap3A_329 = arith.index_cast %swap3A_324 : i32 to index
          %swap3A_330 = arith.constant 48 : index
          %swap3A_331 = tpu.vector_load %swap3A_328[%swap3A_329, %swap3A_330] {strides = array<i32>} : memref<1x64xf32, #tpu.memory_space<vmem>>, vector<16xf32>,
          tpu.vector_store %swap3A_328[%swap3A_329, %swap3A_330], %gather3A_323 {strides = array<i32>} : memref<1x64xf32, #tpu.memory_space<vmem>>, vector<16xf32>,
          %add3A_332 = arith.constant 0 : i32
          %add3A_333 = arith.addi %add3A_332, %squeeze3A_245 : i32
          %dma_start3A = arith.constant 0 : i32
          %dma_start3A_334 = arith.constant 0 : i32
          %dma_start3A_335 = tpu.memref_slice %arg16[%select_n3A_264, %dma_start3A, %dma_start3A_334] : memref<8x1x64xf32, #tpu.memory_space<vmem>> -> memref<1x1x64xf32, #tpu.memory_space<vmem>>
          %dma_start3A_336 = tpu.memref_squeeze %dma_start3A_335 : memref<1x1x64xf32, #tpu.memory_space<vmem>> -> memref<1x64xf32, #tpu.memory_space<vmem>>
          %dma_start3A_337 = arith.constant 0 : i32
          %dma_start3A_338 = tpu.memref_slice %arg10[%add3A_333, %dma_start3A_337] : memref<49152x64xf32, #tpu.memory_space<hbm>> -> memref<1x64xf32, #tpu.memory_space<hbm>>
          %dma_start3A_339 = tpu.memref_slice %arg17[%select_n3A_264] : memref<8x!tpu.dma_semaphore, #tpu.memory_space<semaphore_mem>> -> memref<1x!tpu.dma_semaphore, #tpu.memory_space<semaphore_mem>>
          %dma_start3A_340 = tpu.memref_squeeze %dma_start3A_339 : memref<1x!tpu.dma_semaphore, #tpu.memory_space<semaphore_mem>> -> memref<!tpu.dma_semaphore, #tpu.memory_space<semaphore_mem>>
          %dma_start3A_341 = arith.constant 0 : i32
          %dma_start3A_342 = tpu.memref_slice %arg10[%add3A_333, %dma_start3A_341] : memref<49152x64xf32, #tpu.memory_space<hbm>> -> memref<1x64xf32, #tpu.memory_space<hbm>>
          %dma_start3A_343 = arith.constant 0 : i32
          %dma_start3A_344 = arith.constant 0 : i32
          %dma_start3A_345 = tpu.memref_slice %arg16[%select_n3A_264, %dma_start3A_343, %dma_start3A_344] : memref<8x1x64xf32, #tpu.memory_space<vmem>> -> memref<1x1x64xf32, #tpu.memory_space<vmem>>
          %dma_start3A_346 = tpu.memref_squeeze %dma_start3A_345 : memref<1x1x64xf32, #tpu.memory_space<vmem>> -> memref<1x64xf32, #tpu.memory_space<vmem>>
          tpu.enqueue_dma source(%dma_start3A_346 : memref<1x64xf32, #tpu.memory_space<vmem>>) target(%dma_start3A_342 : memref<1x64xf32, #tpu.memory_space<hbm>>) target_semaphore(%dma_start3A_340 : memref<!tpu.dma_semaphore, #tpu.memory_space<semaphore_mem>>)
        }
        %while3A_234 = arith.constant 1 : i32
        scf.for %while3A_236 = %while3A_232 to %while3A_228 step %while3A_234  : i32 {
          %add3A_237 = arith.addi %squeeze3A_214, %while3A_236 : i32
          %get3A_238 = arith.index_cast %add3A_237 : i32 to index
          %get3A_239 = tpu.vector_load %arg11[%get3A_238] {strides = array<i32>} : memref<32784xi32, #tpu.memory_space<vmem>>, vector<16xi32>,
          %slice3A_240 = vector.extract_strided_slice %get3A_239 {offsets = [0], sizes = [1], strides = [1]} : vector<16xi32> to vector<1xi32>
          %squeeze3A_241 = vector.extract %slice3A_240[0] : i32 from vector<1xi32>
          %get3A_242 = arith.index_cast %add3A_237 : i32 to index
          %get3A_243 = tpu.vector_load %arg12[%get3A_242] {strides = array<i32>} : memref<32784xi32, #tpu.memory_space<vmem>>, vector<16xi32>,
          %slice3A_244 = vector.extract_strided_slice %get3A_243 {offsets = [0], sizes = [1], strides = [1]} : vector<16xi32> to vector<1xi32>
          %squeeze3A_245 = vector.extract %slice3A_244[0] : i32 from vector<1xi32>
          %and3A_246 = arith.constant 127 : i32
          %and3A_247 = arith.andi %squeeze3A_241, %and3A_246 : i32
          %broadcast_in_dim3A = vector.broadcast %and3A_247 : i32 to vector<16xi32>
          %add3A_248 = arith.addi %scan3A_170, %while3A_236 : i32
          %jit3A_249 = arith.constant 8 : i32
          %eq3A_250 = arith.constant 0 : i32
          %eq3A_251 = arith.cmpi eq, %jit3A_249, %eq3A_250 : i32
          %jit3A_252 = arith.constant 1 : i32
          %select_n3A_253 = arith.select %eq3A_251, %jit3A_252, %jit3A_249 : i32
          %rem3A_254 = arith.remsi %add3A_248, %select_n3A_253 : i32
          %ne3A_255 = arith.constant 0 : i32
          %ne3A_256 = arith.cmpi ne, %rem3A_254, %ne3A_255 : i32
          %lt3A_257 = arith.constant 0 : i32
          %lt3A_258 = arith.cmpi slt, %rem3A_254, %lt3A_257 : i32
          %lt3A_259 = arith.constant 0 : i32
          %lt3A_260 = arith.cmpi slt, %select_n3A_253, %lt3A_259 : i32
          %ne3A_261 = arith.xori %lt3A_258, %lt3A_260 : i1
          %and3A_262 = arith.andi %ne3A_261, %ne3A_256 : i1
          %add3A_263 = arith.addi %rem3A_254, %select_n3A_253 : i32
          %select_n3A_264 = arith.select %and3A_262, %add3A_263, %rem3A_254 : i32
          %add3A_265 = arith.addi %scan3A_170, %while3A_236 : i32
          %ge3A = arith.constant 8 : i32
          %ge3A_266 = arith.cmpi sge, %add3A_265, %ge3A : i32
          %convert_element_type3A_267 = arith.extui %ge3A_266 : i1 to i32
          %cond3A_268 = arith.constant 0 : i32
          %cond3A_269 = arith.cmpi ne, %convert_element_type3A_267, %cond3A_268 : i32
          scf.if %cond3A_269 {
            %dma_wait3A = arith.constant 0 : i32
            %dma_wait3A_347 = arith.constant 0 : i32
            %dma_wait3A_348 = tpu.memref_slice %arg16[%select_n3A_264, %dma_wait3A, %dma_wait3A_347] : memref<8x1x64xf32, #tpu.memory_space<vmem>> -> memref<1x1x64xf32, #tpu.memory_space<vmem>>
            %dma_wait3A_349 = tpu.memref_squeeze %dma_wait3A_348 : memref<1x1x64xf32, #tpu.memory_space<vmem>> -> memref<1x64xf32, #tpu.memory_space<vmem>>
            %dma_wait3A_350 = arith.constant 0 : i32
            %dma_wait3A_351 = arith.constant 0 : i32
            %dma_wait3A_352 = tpu.memref_slice %arg10[%dma_wait3A_350, %dma_wait3A_351] : memref<49152x64xf32, #tpu.memory_space<hbm>> -> memref<1x64xf32, #tpu.memory_space<hbm>>
            %dma_wait3A_353 = tpu.memref_slice %arg17[%select_n3A_264] : memref<8x!tpu.dma_semaphore, #tpu.memory_space<semaphore_mem>> -> memref<1x!tpu.dma_semaphore, #tpu.memory_space<semaphore_mem>>
            %dma_wait3A_354 = tpu.memref_squeeze %dma_wait3A_353 : memref<1x!tpu.dma_semaphore, #tpu.memory_space<semaphore_mem>> -> memref<!tpu.dma_semaphore, #tpu.memory_space<semaphore_mem>>
            %dma_wait3A_355 = arith.constant 0 : i32
            %dma_wait3A_356 = arith.constant 0 : i32
            %dma_wait3A_357 = tpu.memref_slice %arg10[%dma_wait3A_355, %dma_wait3A_356] : memref<49152x64xf32, #tpu.memory_space<hbm>> -> memref<1x64xf32, #tpu.memory_space<hbm>>
            %dma_wait3A_358 = arith.constant 0 : i32
            %dma_wait3A_359 = arith.constant 0 : i32
            %dma_wait3A_360 = tpu.memref_slice %arg16[%select_n3A_264, %dma_wait3A_358, %dma_wait3A_359] : memref<8x1x64xf32, #tpu.memory_space<vmem>> -> memref<1x1x64xf32, #tpu.memory_space<vmem>>
            %dma_wait3A_361 = tpu.memref_squeeze %dma_wait3A_360 : memref<1x1x64xf32, #tpu.memory_space<vmem>> -> memref<1x64xf32, #tpu.memory_space<vmem>>
            tpu.wait_dma2 semaphore(%dma_wait3A_354 : memref<!tpu.dma_semaphore, #tpu.memory_space<semaphore_mem>>) src(%dma_wait3A_361 : memref<1x64xf32, #tpu.memory_space<vmem>>) dst(%dma_wait3A_357 : memref<1x64xf32, #tpu.memory_space<hbm>>)
          } else {
          }
          %add3A_270 = arith.constant 0 : i32
          %add3A_271 = vector.broadcast %add3A_270 : i32 to vector<16xi32>
          %add3A_272 = arith.addi %iota3A, %add3A_271 : vector<16xi32>
          %gather3A = arith.constant 0 : i32
          %gather3A_273 = arith.constant 0 : i32
          %gather3A_274 = tpu.memref_slice %arg15[%select_n3A_189, %gather3A, %gather3A_273] : memref<4x64x128xf32, #tpu.memory_space<vmem>> -> memref<1x64x128xf32, #tpu.memory_space<vmem>>
          %gather3A_275 = tpu.memref_squeeze %gather3A_274 : memref<1x64x128xf32, #tpu.memory_space<vmem>> -> memref<64x128xf32, #tpu.memory_space<vmem>>
          %gather3A_276 = tpu.vector_load_idx %gather3A_275[%add3A_272, %broadcast_in_dim3A] : memref<64x128xf32, #tpu.memory_space<vmem>>[vector<16xi32>, vector<16xi32>], vector<16xf32>,
          %swap3A = arith.constant 0 : i32
          %swap3A_277 = arith.constant 0 : i32
          %swap3A_278 = arith.constant 0 : i32
          %swap3A_279 = tpu.memref_slice %arg16[%select_n3A_264, %swap3A_277, %swap3A_278] : memref<8x1x64xf32, #tpu.memory_space<vmem>> -> memref<1x1x64xf32, #tpu.memory_space<vmem>>
          %swap3A_280 = tpu.memref_squeeze %swap3A_279 : memref<1x1x64xf32, #tpu.memory_space<vmem>> -> memref<1x64xf32, #tpu.memory_space<vmem>>
          %swap3A_281 = arith.index_cast %swap3A : i32 to index
          %swap3A_282 = arith.constant 0 : index
          %swap3A_283 = tpu.vector_load %swap3A_280[%swap3A_281, %swap3A_282] {strides = array<i32>} : memref<1x64xf32, #tpu.memory_space<vmem>>, vector<16xf32>,
          tpu.vector_store %swap3A_280[%swap3A_281, %swap3A_282], %gather3A_276 {strides = array<i32>} : memref<1x64xf32, #tpu.memory_space<vmem>>, vector<16xf32>,
          %add3A_284 = arith.constant 16 : i32
          %add3A_285 = vector.broadcast %add3A_284 : i32 to vector<16xi32>
          %add3A_286 = arith.addi %iota3A, %add3A_285 : vector<16xi32>
          %gather3A_287 = arith.constant 0 : i32
          %gather3A_288 = arith.constant 0 : i32
          %gather3A_289 = tpu.memref_slice %arg15[%select_n3A_189, %gather3A_287, %gather3A_288] : memref<4x64x128xf32, #tpu.memory_space<vmem>> -> memref<1x64x128xf32, #tpu.memory_space<vmem>>
          %gather3A_290 = tpu.memref_squeeze %gather3A_289 : memref<1x64x128xf32, #tpu.memory_space<vmem>> -> memref<64x128xf32, #tpu.memory_space<vmem>>
          %gather3A_291 = tpu.vector_load_idx %gather3A_290[%add3A_286, %broadcast_in_dim3A] : memref<64x128xf32, #tpu.memory_space<vmem>>[vector<16xi32>, vector<16xi32>], vector<16xf32>,
          %swap3A_292 = arith.constant 0 : i32
          %swap3A_293 = arith.constant 0 : i32
          %swap3A_294 = arith.constant 0 : i32
          %swap3A_295 = tpu.memref_slice %arg16[%select_n3A_264, %swap3A_293, %swap3A_294] : memref<8x1x64xf32, #tpu.memory_space<vmem>> -> memref<1x1x64xf32, #tpu.memory_space<vmem>>
          %swap3A_296 = tpu.memref_squeeze %swap3A_295 : memref<1x1x64xf32, #tpu.memory_space<vmem>> -> memref<1x64xf32, #tpu.memory_space<vmem>>
          %swap3A_297 = arith.index_cast %swap3A_292 : i32 to index
          %swap3A_298 = arith.constant 16 : index
          %swap3A_299 = tpu.vector_load %swap3A_296[%swap3A_297, %swap3A_298] {strides = array<i32>} : memref<1x64xf32, #tpu.memory_space<vmem>>, vector<16xf32>,
          tpu.vector_store %swap3A_296[%swap3A_297, %swap3A_298], %gather3A_291 {strides = array<i32>} : memref<1x64xf32, #tpu.memory_space<vmem>>, vector<16xf32>,
          %add3A_300 = arith.constant 32 : i32
          %add3A_301 = vector.broadcast %add3A_300 : i32 to vector<16xi32>
          %add3A_302 = arith.addi %iota3A, %add3A_301 : vector<16xi32>
          %gather3A_303 = arith.constant 0 : i32
          %gather3A_304 = arith.constant 0 : i32
          %gather3A_305 = tpu.memref_slice %arg15[%select_n3A_189, %gather3A_303, %gather3A_304] : memref<4x64x128xf32, #tpu.memory_space<vmem>> -> memref<1x64x128xf32, #tpu.memory_space<vmem>>
          %gather3A_306 = tpu.memref_squeeze %gather3A_305 : memref<1x64x128xf32, #tpu.memory_space<vmem>> -> memref<64x128xf32, #tpu.memory_space<vmem>>
          %gather3A_307 = tpu.vector_load_idx %gather3A_306[%add3A_302, %broadcast_in_dim3A] : memref<64x128xf32, #tpu.memory_space<vmem>>[vector<16xi32>, vector<16xi32>], vector<16xf32>,
          %swap3A_308 = arith.constant 0 : i32
          %swap3A_309 = arith.constant 0 : i32
          %swap3A_310 = arith.constant 0 : i32
          %swap3A_311 = tpu.memref_slice %arg16[%select_n3A_264, %swap3A_309, %swap3A_310] : memref<8x1x64xf32, #tpu.memory_space<vmem>> -> memref<1x1x64xf32, #tpu.memory_space<vmem>>
          %swap3A_312 = tpu.memref_squeeze %swap3A_311 : memref<1x1x64xf32, #tpu.memory_space<vmem>> -> memref<1x64xf32, #tpu.memory_space<vmem>>
          %swap3A_313 = arith.index_cast %swap3A_308 : i32 to index
          %swap3A_314 = arith.constant 32 : index
          %swap3A_315 = tpu.vector_load %swap3A_312[%swap3A_313, %swap3A_314] {strides = array<i32>} : memref<1x64xf32, #tpu.memory_space<vmem>>, vector<16xf32>,
          tpu.vector_store %swap3A_312[%swap3A_313, %swap3A_314], %gather3A_307 {strides = array<i32>} : memref<1x64xf32, #tpu.memory_space<vmem>>, vector<16xf32>,
          %add3A_316 = arith.constant 48 : i32
          %add3A_317 = vector.broadcast %add3A_316 : i32 to vector<16xi32>
          %add3A_318 = arith.addi %iota3A, %add3A_317 : vector<16xi32>
          %gather3A_319 = arith.constant 0 : i32
          %gather3A_320 = arith.constant 0 : i32
          %gather3A_321 = tpu.memref_slice %arg15[%select_n3A_189, %gather3A_319, %gather3A_320] : memref<4x64x128xf32, #tpu.memory_space<vmem>> -> memref<1x64x128xf32, #tpu.memory_space<vmem>>
          %gather3A_322 = tpu.memref_squeeze %gather3A_321 : memref<1x64x128xf32, #tpu.memory_space<vmem>> -> memref<64x128xf32, #tpu.memory_space<vmem>>
          %gather3A_323 = tpu.vector_load_idx %gather3A_322[%add3A_318, %broadcast_in_dim3A] : memref<64x128xf32, #tpu.memory_space<vmem>>[vector<16xi32>, vector<16xi32>], vector<16xf32>,
          %swap3A_324 = arith.constant 0 : i32
          %swap3A_325 = arith.constant 0 : i32
          %swap3A_326 = arith.constant 0 : i32
          %swap3A_327 = tpu.memref_slice %arg16[%select_n3A_264, %swap3A_325, %swap3A_326] : memref<8x1x64xf32, #tpu.memory_space<vmem>> -> memref<1x1x64xf32, #tpu.memory_space<vmem>>
          %swap3A_328 = tpu.memref_squeeze %swap3A_327 : memref<1x1x64xf32, #tpu.memory_space<vmem>> -> memref<1x64xf32, #tpu.memory_space<vmem>>
          %swap3A_329 = arith.index_cast %swap3A_324 : i32 to index
          %swap3A_330 = arith.constant 48 : index
          %swap3A_331 = tpu.vector_load %swap3A_328[%swap3A_329, %swap3A_330] {strides = array<i32>} : memref<1x64xf32, #tpu.memory_space<vmem>>, vector<16xf32>,
          tpu.vector_store %swap3A_328[%swap3A_329, %swap3A_330], %gather3A_323 {strides = array<i32>} : memref<1x64xf32, #tpu.memory_space<vmem>>, vector<16xf32>,
          %add3A_332 = arith.constant 0 : i32
          %add3A_333 = arith.addi %add3A_332, %squeeze3A_245 : i32
          %dma_start3A = arith.constant 0 : i32
          %dma_start3A_334 = arith.constant 0 : i32
          %dma_start3A_335 = tpu.memref_slice %arg16[%select_n3A_264, %dma_start3A, %dma_start3A_334] : memref<8x1x64xf32, #tpu.memory_space<vmem>> -> memref<1x1x64xf32, #tpu.memory_space<vmem>>
          %dma_start3A_336 = tpu.memref_squeeze %dma_start3A_335 : memref<1x1x64xf32, #tpu.memory_space<vmem>> -> memref<1x64xf32, #tpu.memory_space<vmem>>
          %dma_start3A_337 = arith.constant 0 : i32
          %dma_start3A_338 = tpu.memref_slice %arg10[%add3A_333, %dma_start3A_337] : memref<49152x64xf32, #tpu.memory_space<hbm>> -> memref<1x64xf32, #tpu.memory_space<hbm>>
          %dma_start3A_339 = tpu.memref_slice %arg17[%select_n3A_264] : memref<8x!tpu.dma_semaphore, #tpu.memory_space<semaphore_mem>> -> memref<1x!tpu.dma_semaphore, #tpu.memory_space<semaphore_mem>>
          %dma_start3A_340 = tpu.memref_squeeze %dma_start3A_339 : memref<1x!tpu.dma_semaphore, #tpu.memory_space<semaphore_mem>> -> memref<!tpu.dma_semaphore, #tpu.memory_space<semaphore_mem>>
          %dma_start3A_341 = arith.constant 0 : i32
          %dma_start3A_342 = tpu.memref_slice %arg10[%add3A_333, %dma_start3A_341] : memref<49152x64xf32, #tpu.memory_space<hbm>> -> memref<1x64xf32, #tpu.memory_space<hbm>>
          %dma_start3A_343 = arith.constant 0 : i32
          %dma_start3A_344 = arith.constant 0 : i32
          %dma_start3A_345 = tpu.memref_slice %arg16[%select_n3A_264, %dma_start3A_343, %dma_start3A_344] : memref<8x1x64xf32, #tpu.memory_space<vmem>> -> memref<1x1x64xf32, #tpu.memory_space<vmem>>
          %dma_start3A_346 = tpu.memref_squeeze %dma_start3A_345 : memref<1x1x64xf32, #tpu.memory_space<vmem>> -> memref<1x64xf32, #tpu.memory_space<vmem>>
          tpu.enqueue_dma source(%dma_start3A_346 : memref<1x64xf32, #tpu.memory_space<vmem>>) target(%dma_start3A_342 : memref<1x64xf32, #tpu.memory_space<hbm>>) target_semaphore(%dma_start3A_340 : memref<!tpu.dma_semaphore, #tpu.memory_space<semaphore_mem>>)
        }
        %sub3A_235 = arith.subi %squeeze3A_220, %squeeze3A_214 : i32
        scf.yield %sub3A_235 : i32
      } else {
        %cond3A_179 = arith.constant 0 : i32
        scf.yield %cond3A_179 : i32
      }
      %add3A_178 = arith.addi %scan3A_170, %cond3A_177 : i32
      scf.yield %add3A_178 : i32
    }
    %scan3A_72 = arith.constant 245 : i32
    %scan3A_73 = arith.constant 0 : i32
    %scan3A_74 = arith.constant 0 : i32
    %scan3A_75 = arith.constant 8 : i32
    %scan3A_76 = arith.addi %scan3A_74, %scan3A_75 : i32
    %scan3A_77 = arith.constant 1 : i32
    scf.for %scan3A_169 = %scan3A_74 to %scan3A_76 step %scan3A_77  : i32 {
      %min3A_170 = arith.constant 8 : i32
      %min3A_171 = arith.minsi %sub3A_11, %min3A_170 : i32
      %lt3A_172 = arith.cmpi slt, %scan3A_169, %min3A_171 : i32
      %convert_element_type3A_173 = arith.extui %lt3A_172 : i1 to i32
      %cond3A_174 = arith.constant 0 : i32
      %cond3A_175 = arith.cmpi ne, %convert_element_type3A_173, %cond3A_174 : i32
      scf.if %cond3A_175 {
        %dma_wait3A = arith.constant 0 : i32
        %dma_wait3A_176 = arith.constant 0 : i32
        %dma_wait3A_177 = tpu.memref_slice %arg16[%scan3A_169, %dma_wait3A, %dma_wait3A_176] : memref<8x1x64xf32, #tpu.memory_space<vmem>> -> memref<1x1x64xf32, #tpu.memory_space<vmem>>
        %dma_wait3A_178 = tpu.memref_squeeze %dma_wait3A_177 : memref<1x1x64xf32, #tpu.memory_space<vmem>> -> memref<1x64xf32, #tpu.memory_space<vmem>>
        %dma_wait3A_179 = arith.constant 0 : i32
        %dma_wait3A_180 = arith.constant 0 : i32
        %dma_wait3A_181 = tpu.memref_slice %arg10[%dma_wait3A_179, %dma_wait3A_180] : memref<49152x64xf32, #tpu.memory_space<hbm>> -> memref<1x64xf32, #tpu.memory_space<hbm>>
        %dma_wait3A_182 = tpu.memref_slice %arg17[%scan3A_169] : memref<8x!tpu.dma_semaphore, #tpu.memory_space<semaphore_mem>> -> memref<1x!tpu.dma_semaphore, #tpu.memory_space<semaphore_mem>>
        %dma_wait3A_183 = tpu.memref_squeeze %dma_wait3A_182 : memref<1x!tpu.dma_semaphore, #tpu.memory_space<semaphore_mem>> -> memref<!tpu.dma_semaphore, #tpu.memory_space<semaphore_mem>>
        %dma_wait3A_184 = arith.constant 0 : i32
        %dma_wait3A_185 = arith.constant 0 : i32
        %dma_wait3A_186 = tpu.memref_slice %arg10[%dma_wait3A_184, %dma_wait3A_185] : memref<49152x64xf32, #tpu.memory_space<hbm>> -> memref<1x64xf32, #tpu.memory_space<hbm>>
        %dma_wait3A_187 = arith.constant 0 : i32
        %dma_wait3A_188 = arith.constant 0 : i32
        %dma_wait3A_189 = tpu.memref_slice %arg16[%scan3A_169, %dma_wait3A_187, %dma_wait3A_188] : memref<8x1x64xf32, #tpu.memory_space<vmem>> -> memref<1x1x64xf32, #tpu.memory_space<vmem>>
        %dma_wait3A_190 = tpu.memref_squeeze %dma_wait3A_189 : memref<1x1x64xf32, #tpu.memory_space<vmem>> -> memref<1x64xf32, #tpu.memory_space<vmem>>
        tpu.wait_dma2 semaphore(%dma_wait3A_183 : memref<!tpu.dma_semaphore, #tpu.memory_space<semaphore_mem>>) src(%dma_wait3A_190 : memref<1x64xf32, #tpu.memory_space<vmem>>) dst(%dma_wait3A_186 : memref<1x64xf32, #tpu.memory_space<hbm>>)
      } else {
      }
    }
    %scan3A_78 = arith.constant 8 : i32
    "tpu.region"() ({
      %run_scoped3A = tpu.sem_alloc : memref<!tpu.dma_semaphore, #tpu.memory_space<semaphore_mem>>
      tpu.enqueue_dma source(%arg5 : memref<32784xi32, #tpu.memory_space<hbm>>) target(%arg11 : memref<32784xi32, #tpu.memory_space<vmem>>) target_semaphore(%run_scoped3A : memref<!tpu.dma_semaphore, #tpu.memory_space<semaphore_mem>>)
      tpu.wait_dma2 semaphore(%run_scoped3A : memref<!tpu.dma_semaphore, #tpu.memory_space<semaphore_mem>>) src(%arg5 : memref<32784xi32, #tpu.memory_space<hbm>>) dst(%arg11 : memref<32784xi32, #tpu.memory_space<vmem>>)
      tpu.yield
    }) : () -> ()
    "tpu.region"() ({
      %run_scoped3A = tpu.sem_alloc : memref<!tpu.dma_semaphore, #tpu.memory_space<semaphore_mem>>
      tpu.enqueue_dma source(%arg6 : memref<32784xi32, #tpu.memory_space<hbm>>) target(%arg12 : memref<32784xi32, #tpu.memory_space<vmem>>) target_semaphore(%run_scoped3A : memref<!tpu.dma_semaphore, #tpu.memory_space<semaphore_mem>>)
      tpu.wait_dma2 semaphore(%run_scoped3A : memref<!tpu.dma_semaphore, #tpu.memory_space<semaphore_mem>>) src(%arg6 : memref<32784xi32, #tpu.memory_space<hbm>>) dst(%arg12 : memref<32784xi32, #tpu.memory_space<vmem>>)
      tpu.yield
    }) : () -> ()
    %iota3A_79 = tpu.iota {dimensions = array<i32: 0>} : vector<16xi32>
    %mul3A_80 = arith.constant 245 : i32
    %mul3A_81 = arith.muli %add3A, %mul3A_80 : i32
    %add3A_82 = arith.constant 245 : i32
    %add3A_83 = arith.addi %mul3A_81, %add3A_82 : i32
    %min3A_84 = arith.constant 7813 : i32
    %min3A_85 = arith.minsi %add3A_83, %min3A_84 : i32
    %sub3A_86 = arith.subi %min3A_85, %mul3A_81 : i32
    %get3A_87 = arith.index_cast %min3A_85 : i32 to index
    %get3A_88 = tpu.vector_load %arg14[%get3A_87] {strides = array<i32>} : memref<7830xi32, #tpu.memory_space<vmem>>, vector<16xi32>,
    %slice3A_89 = vector.extract_strided_slice %get3A_88 {offsets = [0], sizes = [1], strides = [1]} : vector<16xi32> to vector<1xi32>
    %squeeze3A_90 = vector.extract %slice3A_89[0] : i32 from vector<1xi32>
    %get3A_91 = arith.index_cast %mul3A_81 : i32 to index
    %get3A_92 = tpu.vector_load %arg14[%get3A_91] {strides = array<i32>} : memref<7830xi32, #tpu.memory_space<vmem>>, vector<16xi32>,
    %slice3A_93 = vector.extract_strided_slice %get3A_92 {offsets = [0], sizes = [1], strides = [1]} : vector<16xi32> to vector<1xi32>
    %squeeze3A_94 = vector.extract %slice3A_93[0] : i32 from vector<1xi32>
    %sub3A_95 = arith.subi %squeeze3A_90, %squeeze3A_94 : i32
    %lt3A_96 = arith.constant 0 : i32
    %lt3A_97 = arith.cmpi slt, %lt3A_96, %sub3A_86 : i32
    %add3A_98 = arith.constant 0 : i32
    %add3A_99 = arith.addi %mul3A_81, %add3A_98 : i32
    %add3A_100 = arith.constant 1 : i32
    %add3A_101 = arith.addi %add3A_99, %add3A_100 : i32
    %get3A_102 = arith.index_cast %add3A_101 : i32 to index
    %get3A_103 = tpu.vector_load %arg14[%get3A_102] {strides = array<i32>} : memref<7830xi32, #tpu.memory_space<vmem>>, vector<16xi32>,
    %slice3A_104 = vector.extract_strided_slice %get3A_103 {offsets = [0], sizes = [1], strides = [1]} : vector<16xi32> to vector<1xi32>
    %squeeze3A_105 = vector.extract %slice3A_104[0] : i32 from vector<1xi32>
    %get3A_106 = arith.index_cast %add3A_99 : i32 to index
    %get3A_107 = tpu.vector_load %arg14[%get3A_106] {strides = array<i32>} : memref<7830xi32, #tpu.memory_space<vmem>>, vector<16xi32>,
    %slice3A_108 = vector.extract_strided_slice %get3A_107 {offsets = [0], sizes = [1], strides = [1]} : vector<16xi32> to vector<1xi32>
    %squeeze3A_109 = vector.extract %slice3A_108[0] : i32 from vector<1xi32>
    %gt3A_110 = arith.cmpi sgt, %squeeze3A_105, %squeeze3A_109 : i32
    %and3A_111 = arith.andi %lt3A_97, %gt3A_110 : i1
    %convert_element_type3A_112 = arith.extui %and3A_111 : i1 to i32
    %cond3A_113 = arith.constant 0 : i32
    %cond3A_114 = arith.constant 0 : i32
    %cond3A_115 = arith.cmpi ne, %convert_element_type3A_112, %cond3A_114 : i32
    scf.if %cond3A_115 {
      %add3A_169 = arith.addi %mul3A_81, %cond3A_113 : i32
      %mul3A_170 = arith.constant 128 : i32
      %mul3A_171 = arith.muli %add3A_169, %mul3A_170 : i32
      %multiple_of3A = tpu.assume_multiple %mul3A_171, 128 : i32
      %jit3A = arith.constant 4 : i32
      %eq3A = arith.constant 0 : i32
      %eq3A_172 = arith.cmpi eq, %jit3A, %eq3A : i32
      %jit3A_173 = arith.constant 1 : i32
      %select_n3A = arith.select %eq3A_172, %jit3A_173, %jit3A : i32
      %rem3A = arith.remsi %cond3A_113, %select_n3A : i32
      %ne3A = arith.constant 0 : i32
      %ne3A_174 = arith.cmpi ne, %rem3A, %ne3A : i32
      %lt3A_175 = arith.constant 0 : i32
      %lt3A_176 = arith.cmpi slt, %rem3A, %lt3A_175 : i32
      %lt3A_177 = arith.constant 0 : i32
      %lt3A_178 = arith.cmpi slt, %select_n3A, %lt3A_177 : i32
      %ne3A_179 = arith.xori %lt3A_176, %lt3A_178 : i1
      %and3A_180 = arith.andi %ne3A_179, %ne3A_174 : i1
      %add3A_181 = arith.addi %rem3A, %select_n3A : i32
      %select_n3A_182 = arith.select %and3A_180, %add3A_181, %rem3A : i32
      %jit3A_183 = arith.constant 4 : i32
      %eq3A_184 = arith.constant 0 : i32
      %eq3A_185 = arith.cmpi eq, %jit3A_183, %eq3A_184 : i32
      %jit3A_186 = arith.constant 1 : i32
      %select_n3A_187 = arith.select %eq3A_185, %jit3A_186, %jit3A_183 : i32
      %rem3A_188 = arith.remsi %cond3A_113, %select_n3A_187 : i32
      %ne3A_189 = arith.constant 0 : i32
      %ne3A_190 = arith.cmpi ne, %rem3A_188, %ne3A_189 : i32
      %lt3A_191 = arith.constant 0 : i32
      %lt3A_192 = arith.cmpi slt, %rem3A_188, %lt3A_191 : i32
      %lt3A_193 = arith.constant 0 : i32
      %lt3A_194 = arith.cmpi slt, %select_n3A_187, %lt3A_193 : i32
      %ne3A_195 = arith.xori %lt3A_192, %lt3A_194 : i1
      %and3A_196 = arith.andi %ne3A_195, %ne3A_190 : i1
      %add3A_197 = arith.addi %rem3A_188, %select_n3A_187 : i32
      %select_n3A_198 = arith.select %and3A_196, %add3A_197, %rem3A_188 : i32
      %dma_start3A = arith.constant 0 : i32
      %dma_start3A_199 = arith.constant 0 : i32
      %dma_start3A_200 = tpu.memref_slice %arg15[%select_n3A_182, %dma_start3A, %dma_start3A_199] : memref<4x64x128xf32, #tpu.memory_space<vmem>> -> memref<1x64x128xf32, #tpu.memory_space<vmem>>
      %dma_start3A_201 = tpu.memref_squeeze %dma_start3A_200 : memref<1x64x128xf32, #tpu.memory_space<vmem>> -> memref<64x128xf32, #tpu.memory_space<vmem>>
      %dma_start3A_202 = arith.constant 0 : i32
      %dma_start3A_203 = tpu.memref_slice %arg9[%dma_start3A_202, %multiple_of3A] : memref<64x1000001xf32, #tpu.memory_space<hbm>> -> memref<64x128xf32, #tpu.memory_space<hbm>>
      %dma_start3A_204 = tpu.memref_slice %arg18[%select_n3A_198] : memref<4x!tpu.dma_semaphore, #tpu.memory_space<semaphore_mem>> -> memref<1x!tpu.dma_semaphore, #tpu.memory_space<semaphore_mem>>
      %dma_start3A_205 = tpu.memref_squeeze %dma_start3A_204 : memref<1x!tpu.dma_semaphore, #tpu.memory_space<semaphore_mem>> -> memref<!tpu.dma_semaphore, #tpu.memory_space<semaphore_mem>>
      %dma_start3A_206 = arith.constant 0 : i32
      %dma_start3A_207 = arith.constant 0 : i32
      %dma_start3A_208 = tpu.memref_slice %arg15[%select_n3A_182, %dma_start3A_206, %dma_start3A_207] : memref<4x64x128xf32, #tpu.memory_space<vmem>> -> memref<1x64x128xf32, #tpu.memory_space<vmem>>
      %dma_start3A_209 = tpu.memref_squeeze %dma_start3A_208 : memref<1x64x128xf32, #tpu.memory_space<vmem>> -> memref<64x128xf32, #tpu.memory_space<vmem>>
      %dma_start3A_210 = arith.constant 0 : i32
      %dma_start3A_211 = tpu.memref_slice %arg9[%dma_start3A_210, %multiple_of3A] : memref<64x1000001xf32, #tpu.memory_space<hbm>> -> memref<64x128xf32, #tpu.memory_space<hbm>>
      tpu.enqueue_dma source(%dma_start3A_211 : memref<64x128xf32, #tpu.memory_space<hbm>>) target(%dma_start3A_209 : memref<64x128xf32, #tpu.memory_space<vmem>>) target_semaphore(%dma_start3A_205 : memref<!tpu.dma_semaphore, #tpu.memory_space<semaphore_mem>>)
    } else {
    }
    %lt3A_116 = arith.constant 1 : i32
    %lt3A_117 = arith.cmpi slt, %lt3A_116, %sub3A_86 : i32
    %add3A_118 = arith.constant 1 : i32
    %add3A_119 = arith.addi %mul3A_81, %add3A_118 : i32
    %add3A_120 = arith.constant 1 : i32
    %add3A_121 = arith.addi %add3A_119, %add3A_120 : i32
    %get3A_122 = arith.index_cast %add3A_121 : i32 to index
    %get3A_123 = tpu.vector_load %arg14[%get3A_122] {strides = array<i32>} : memref<7830xi32, #tpu.memory_space<vmem>>, vector<16xi32>,
    %slice3A_124 = vector.extract_strided_slice %get3A_123 {offsets = [0], sizes = [1], strides = [1]} : vector<16xi32> to vector<1xi32>
    %squeeze3A_125 = vector.extract %slice3A_124[0] : i32 from vector<1xi32>
    %get3A_126 = arith.index_cast %add3A_119 : i32 to index
    %get3A_127 = tpu.vector_load %arg14[%get3A_126] {strides = array<i32>} : memref<7830xi32, #tpu.memory_space<vmem>>, vector<16xi32>,
    %slice3A_128 = vector.extract_strided_slice %get3A_127 {offsets = [0], sizes = [1], strides = [1]} : vector<16xi32> to vector<1xi32>
    %squeeze3A_129 = vector.extract %slice3A_128[0] : i32 from vector<1xi32>
    %gt3A_130 = arith.cmpi sgt, %squeeze3A_125, %squeeze3A_129 : i32
    %and3A_131 = arith.andi %lt3A_117, %gt3A_130 : i1
    %convert_element_type3A_132 = arith.extui %and3A_131 : i1 to i32
    %cond3A_133 = arith.constant 1 : i32
    %cond3A_134 = arith.constant 0 : i32
    %cond3A_135 = arith.cmpi ne, %convert_element_type3A_132, %cond3A_134 : i32
    scf.if %cond3A_135 {
      %add3A_169 = arith.addi %mul3A_81, %cond3A_133 : i32
      %mul3A_170 = arith.constant 128 : i32
      %mul3A_171 = arith.muli %add3A_169, %mul3A_170 : i32
      %multiple_of3A = tpu.assume_multiple %mul3A_171, 128 : i32
      %jit3A = arith.constant 4 : i32
      %eq3A = arith.constant 0 : i32
      %eq3A_172 = arith.cmpi eq, %jit3A, %eq3A : i32
      %jit3A_173 = arith.constant 1 : i32
      %select_n3A = arith.select %eq3A_172, %jit3A_173, %jit3A : i32
      %rem3A = arith.remsi %cond3A_133, %select_n3A : i32
      %ne3A = arith.constant 0 : i32
      %ne3A_174 = arith.cmpi ne, %rem3A, %ne3A : i32
      %lt3A_175 = arith.constant 0 : i32
      %lt3A_176 = arith.cmpi slt, %rem3A, %lt3A_175 : i32
      %lt3A_177 = arith.constant 0 : i32
      %lt3A_178 = arith.cmpi slt, %select_n3A, %lt3A_177 : i32
      %ne3A_179 = arith.xori %lt3A_176, %lt3A_178 : i1
      %and3A_180 = arith.andi %ne3A_179, %ne3A_174 : i1
      %add3A_181 = arith.addi %rem3A, %select_n3A : i32
      %select_n3A_182 = arith.select %and3A_180, %add3A_181, %rem3A : i32
      %jit3A_183 = arith.constant 4 : i32
      %eq3A_184 = arith.constant 0 : i32
      %eq3A_185 = arith.cmpi eq, %jit3A_183, %eq3A_184 : i32
      %jit3A_186 = arith.constant 1 : i32
      %select_n3A_187 = arith.select %eq3A_185, %jit3A_186, %jit3A_183 : i32
      %rem3A_188 = arith.remsi %cond3A_133, %select_n3A_187 : i32
      %ne3A_189 = arith.constant 0 : i32
      %ne3A_190 = arith.cmpi ne, %rem3A_188, %ne3A_189 : i32
      %lt3A_191 = arith.constant 0 : i32
      %lt3A_192 = arith.cmpi slt, %rem3A_188, %lt3A_191 : i32
      %lt3A_193 = arith.constant 0 : i32
      %lt3A_194 = arith.cmpi slt, %select_n3A_187, %lt3A_193 : i32
      %ne3A_195 = arith.xori %lt3A_192, %lt3A_194 : i1
      %and3A_196 = arith.andi %ne3A_195, %ne3A_190 : i1
      %add3A_197 = arith.addi %rem3A_188, %select_n3A_187 : i32
      %select_n3A_198 = arith.select %and3A_196, %add3A_197, %rem3A_188 : i32
      %dma_start3A = arith.constant 0 : i32
      %dma_start3A_199 = arith.constant 0 : i32
      %dma_start3A_200 = tpu.memref_slice %arg15[%select_n3A_182, %dma_start3A, %dma_start3A_199] : memref<4x64x128xf32, #tpu.memory_space<vmem>> -> memref<1x64x128xf32, #tpu.memory_space<vmem>>
      %dma_start3A_201 = tpu.memref_squeeze %dma_start3A_200 : memref<1x64x128xf32, #tpu.memory_space<vmem>> -> memref<64x128xf32, #tpu.memory_space<vmem>>
      %dma_start3A_202 = arith.constant 0 : i32
      %dma_start3A_203 = tpu.memref_slice %arg9[%dma_start3A_202, %multiple_of3A] : memref<64x1000001xf32, #tpu.memory_space<hbm>> -> memref<64x128xf32, #tpu.memory_space<hbm>>
      %dma_start3A_204 = tpu.memref_slice %arg18[%select_n3A_198] : memref<4x!tpu.dma_semaphore, #tpu.memory_space<semaphore_mem>> -> memref<1x!tpu.dma_semaphore, #tpu.memory_space<semaphore_mem>>
      %dma_start3A_205 = tpu.memref_squeeze %dma_start3A_204 : memref<1x!tpu.dma_semaphore, #tpu.memory_space<semaphore_mem>> -> memref<!tpu.dma_semaphore, #tpu.memory_space<semaphore_mem>>
      %dma_start3A_206 = arith.constant 0 : i32
      %dma_start3A_207 = arith.constant 0 : i32
      %dma_start3A_208 = tpu.memref_slice %arg15[%select_n3A_182, %dma_start3A_206, %dma_start3A_207] : memref<4x64x128xf32, #tpu.memory_space<vmem>> -> memref<1x64x128xf32, #tpu.memory_space<vmem>>
      %dma_start3A_209 = tpu.memref_squeeze %dma_start3A_208 : memref<1x64x128xf32, #tpu.memory_space<vmem>> -> memref<64x128xf32, #tpu.memory_space<vmem>>
      %dma_start3A_210 = arith.constant 0 : i32
      %dma_start3A_211 = tpu.memref_slice %arg9[%dma_start3A_210, %multiple_of3A] : memref<64x1000001xf32, #tpu.memory_space<hbm>> -> memref<64x128xf32, #tpu.memory_space<hbm>>
      tpu.enqueue_dma source(%dma_start3A_211 : memref<64x128xf32, #tpu.memory_space<hbm>>) target(%dma_start3A_209 : memref<64x128xf32, #tpu.memory_space<vmem>>) target_semaphore(%dma_start3A_205 : memref<!tpu.dma_semaphore, #tpu.memory_space<semaphore_mem>>)
    } else {
    }
    %lt3A_136 = arith.constant 2 : i32
    %lt3A_137 = arith.cmpi slt, %lt3A_136, %sub3A_86 : i32
    %add3A_138 = arith.constant 2 : i32
    %add3A_139 = arith.addi %mul3A_81, %add3A_138 : i32
    %add3A_140 = arith.constant 1 : i32
    %add3A_141 = arith.addi %add3A_139, %add3A_140 : i32
    %get3A_142 = arith.index_cast %add3A_141 : i32 to index
    %get3A_143 = tpu.vector_load %arg14[%get3A_142] {strides = array<i32>} : memref<7830xi32, #tpu.memory_space<vmem>>, vector<16xi32>,
    %slice3A_144 = vector.extract_strided_slice %get3A_143 {offsets = [0], sizes = [1], strides = [1]} : vector<16xi32> to vector<1xi32>
    %squeeze3A_145 = vector.extract %slice3A_144[0] : i32 from vector<1xi32>
    %get3A_146 = arith.index_cast %add3A_139 : i32 to index
    %get3A_147 = tpu.vector_load %arg14[%get3A_146] {strides = array<i32>} : memref<7830xi32, #tpu.memory_space<vmem>>, vector<16xi32>,
    %slice3A_148 = vector.extract_strided_slice %get3A_147 {offsets = [0], sizes = [1], strides = [1]} : vector<16xi32> to vector<1xi32>
    %squeeze3A_149 = vector.extract %slice3A_148[0] : i32 from vector<1xi32>
    %gt3A_150 = arith.cmpi sgt, %squeeze3A_145, %squeeze3A_149 : i32
    %and3A_151 = arith.andi %lt3A_137, %gt3A_150 : i1
    %convert_element_type3A_152 = arith.extui %and3A_151 : i1 to i32
    %cond3A_153 = arith.constant 2 : i32
    %cond3A_154 = arith.constant 0 : i32
    %cond3A_155 = arith.cmpi ne, %convert_element_type3A_152, %cond3A_154 : i32
    scf.if %cond3A_155 {
      %add3A_169 = arith.addi %mul3A_81, %cond3A_153 : i32
      %mul3A_170 = arith.constant 128 : i32
      %mul3A_171 = arith.muli %add3A_169, %mul3A_170 : i32
      %multiple_of3A = tpu.assume_multiple %mul3A_171, 128 : i32
      %jit3A = arith.constant 4 : i32
      %eq3A = arith.constant 0 : i32
      %eq3A_172 = arith.cmpi eq, %jit3A, %eq3A : i32
      %jit3A_173 = arith.constant 1 : i32
      %select_n3A = arith.select %eq3A_172, %jit3A_173, %jit3A : i32
      %rem3A = arith.remsi %cond3A_153, %select_n3A : i32
      %ne3A = arith.constant 0 : i32
      %ne3A_174 = arith.cmpi ne, %rem3A, %ne3A : i32
      %lt3A_175 = arith.constant 0 : i32
      %lt3A_176 = arith.cmpi slt, %rem3A, %lt3A_175 : i32
      %lt3A_177 = arith.constant 0 : i32
      %lt3A_178 = arith.cmpi slt, %select_n3A, %lt3A_177 : i32
      %ne3A_179 = arith.xori %lt3A_176, %lt3A_178 : i1
      %and3A_180 = arith.andi %ne3A_179, %ne3A_174 : i1
      %add3A_181 = arith.addi %rem3A, %select_n3A : i32
      %select_n3A_182 = arith.select %and3A_180, %add3A_181, %rem3A : i32
      %jit3A_183 = arith.constant 4 : i32
      %eq3A_184 = arith.constant 0 : i32
      %eq3A_185 = arith.cmpi eq, %jit3A_183, %eq3A_184 : i32
      %jit3A_186 = arith.constant 1 : i32
      %select_n3A_187 = arith.select %eq3A_185, %jit3A_186, %jit3A_183 : i32
      %rem3A_188 = arith.remsi %cond3A_153, %select_n3A_187 : i32
      %ne3A_189 = arith.constant 0 : i32
      %ne3A_190 = arith.cmpi ne, %rem3A_188, %ne3A_189 : i32
      %lt3A_191 = arith.constant 0 : i32
      %lt3A_192 = arith.cmpi slt, %rem3A_188, %lt3A_191 : i32
      %lt3A_193 = arith.constant 0 : i32
      %lt3A_194 = arith.cmpi slt, %select_n3A_187, %lt3A_193 : i32
      %ne3A_195 = arith.xori %lt3A_192, %lt3A_194 : i1
      %and3A_196 = arith.andi %ne3A_195, %ne3A_190 : i1
      %add3A_197 = arith.addi %rem3A_188, %select_n3A_187 : i32
      %select_n3A_198 = arith.select %and3A_196, %add3A_197, %rem3A_188 : i32
      %dma_start3A = arith.constant 0 : i32
      %dma_start3A_199 = arith.constant 0 : i32
      %dma_start3A_200 = tpu.memref_slice %arg15[%select_n3A_182, %dma_start3A, %dma_start3A_199] : memref<4x64x128xf32, #tpu.memory_space<vmem>> -> memref<1x64x128xf32, #tpu.memory_space<vmem>>
      %dma_start3A_201 = tpu.memref_squeeze %dma_start3A_200 : memref<1x64x128xf32, #tpu.memory_space<vmem>> -> memref<64x128xf32, #tpu.memory_space<vmem>>
      %dma_start3A_202 = arith.constant 0 : i32
      %dma_start3A_203 = tpu.memref_slice %arg9[%dma_start3A_202, %multiple_of3A] : memref<64x1000001xf32, #tpu.memory_space<hbm>> -> memref<64x128xf32, #tpu.memory_space<hbm>>
      %dma_start3A_204 = tpu.memref_slice %arg18[%select_n3A_198] : memref<4x!tpu.dma_semaphore, #tpu.memory_space<semaphore_mem>> -> memref<1x!tpu.dma_semaphore, #tpu.memory_space<semaphore_mem>>
      %dma_start3A_205 = tpu.memref_squeeze %dma_start3A_204 : memref<1x!tpu.dma_semaphore, #tpu.memory_space<semaphore_mem>> -> memref<!tpu.dma_semaphore, #tpu.memory_space<semaphore_mem>>
      %dma_start3A_206 = arith.constant 0 : i32
      %dma_start3A_207 = arith.constant 0 : i32
      %dma_start3A_208 = tpu.memref_slice %arg15[%select_n3A_182, %dma_start3A_206, %dma_start3A_207] : memref<4x64x128xf32, #tpu.memory_space<vmem>> -> memref<1x64x128xf32, #tpu.memory_space<vmem>>
      %dma_start3A_209 = tpu.memref_squeeze %dma_start3A_208 : memref<1x64x128xf32, #tpu.memory_space<vmem>> -> memref<64x128xf32, #tpu.memory_space<vmem>>
      %dma_start3A_210 = arith.constant 0 : i32
      %dma_start3A_211 = tpu.memref_slice %arg9[%dma_start3A_210, %multiple_of3A] : memref<64x1000001xf32, #tpu.memory_space<hbm>> -> memref<64x128xf32, #tpu.memory_space<hbm>>
      tpu.enqueue_dma source(%dma_start3A_211 : memref<64x128xf32, #tpu.memory_space<hbm>>) target(%dma_start3A_209 : memref<64x128xf32, #tpu.memory_space<vmem>>) target_semaphore(%dma_start3A_205 : memref<!tpu.dma_semaphore, #tpu.memory_space<semaphore_mem>>)
    } else {
    }
    %scan3A_156 = arith.constant 0 : i32
    %scan3A_157 = arith.constant 0 : i32
    %scan3A_158 = arith.constant 245 : i32
    %scan3A_159 = arith.addi %scan3A_157, %scan3A_158 : i32
    %scan3A_160 = arith.constant 1 : i32
    %scan3A_161 = scf.for %scan3A_169 = %scan3A_157 to %scan3A_159 step %scan3A_160 iter_args(%scan3A_170 = %scan3A_156) -> (i32)  : i32 {
      %add3A_171 = arith.addi %mul3A_81, %scan3A_169 : i32
      %lt3A_172 = arith.constant 7813 : i32
      %lt3A_173 = arith.cmpi slt, %add3A_171, %lt3A_172 : i32
      %convert_element_type3A_174 = arith.extui %lt3A_173 : i1 to i32
      %cond3A_175 = arith.constant 0 : i32
      %cond3A_176 = arith.cmpi ne, %convert_element_type3A_174, %cond3A_175 : i32
      %cond3A_177 = scf.if %cond3A_176 -> (i32) {
        %jit3A = arith.constant 4 : i32
        %eq3A = arith.constant 0 : i32
        %eq3A_179 = arith.cmpi eq, %jit3A, %eq3A : i32
        %jit3A_180 = arith.constant 1 : i32
        %select_n3A = arith.select %eq3A_179, %jit3A_180, %jit3A : i32
        %rem3A = arith.remsi %scan3A_169, %select_n3A : i32
        %ne3A = arith.constant 0 : i32
        %ne3A_181 = arith.cmpi ne, %rem3A, %ne3A : i32
        %lt3A_182 = arith.constant 0 : i32
        %lt3A_183 = arith.cmpi slt, %rem3A, %lt3A_182 : i32
        %lt3A_184 = arith.constant 0 : i32
        %lt3A_185 = arith.cmpi slt, %select_n3A, %lt3A_184 : i32
        %ne3A_186 = arith.xori %lt3A_183, %lt3A_185 : i1
        %and3A_187 = arith.andi %ne3A_186, %ne3A_181 : i1
        %add3A_188 = arith.addi %rem3A, %select_n3A : i32
        %select_n3A_189 = arith.select %and3A_187, %add3A_188, %rem3A : i32
        %add3A_190 = arith.constant 4 : i32
        %add3A_191 = arith.addi %scan3A_169, %add3A_190 : i32
        %sub3A_192 = arith.constant 1 : i32
        %sub3A_193 = arith.subi %add3A_191, %sub3A_192 : i32
        %lt3A_194 = arith.cmpi slt, %sub3A_193, %sub3A_86 : i32
        %add3A_195 = arith.addi %mul3A_81, %sub3A_193 : i32
        %add3A_196 = arith.constant 1 : i32
        %add3A_197 = arith.addi %add3A_195, %add3A_196 : i32
        %get3A_198 = arith.index_cast %add3A_197 : i32 to index
        %get3A_199 = tpu.vector_load %arg14[%get3A_198] {strides = array<i32>} : memref<7830xi32, #tpu.memory_space<vmem>>, vector<16xi32>,
        %slice3A_200 = vector.extract_strided_slice %get3A_199 {offsets = [0], sizes = [1], strides = [1]} : vector<16xi32> to vector<1xi32>
        %squeeze3A_201 = vector.extract %slice3A_200[0] : i32 from vector<1xi32>
        %get3A_202 = arith.index_cast %add3A_195 : i32 to index
        %get3A_203 = tpu.vector_load %arg14[%get3A_202] {strides = array<i32>} : memref<7830xi32, #tpu.memory_space<vmem>>, vector<16xi32>,
        %slice3A_204 = vector.extract_strided_slice %get3A_203 {offsets = [0], sizes = [1], strides = [1]} : vector<16xi32> to vector<1xi32>
        %squeeze3A_205 = vector.extract %slice3A_204[0] : i32 from vector<1xi32>
        %gt3A_206 = arith.cmpi sgt, %squeeze3A_201, %squeeze3A_205 : i32
        %and3A_207 = arith.andi %lt3A_194, %gt3A_206 : i1
        %convert_element_type3A_208 = arith.extui %and3A_207 : i1 to i32
        %cond3A_209 = arith.constant 0 : i32
        %cond3A_210 = arith.cmpi ne, %convert_element_type3A_208, %cond3A_209 : i32
        scf.if %cond3A_210 {
          %add3A_236 = arith.addi %mul3A_81, %sub3A_193 : i32
          %mul3A_237 = arith.constant 128 : i32
          %mul3A_238 = arith.muli %add3A_236, %mul3A_237 : i32
          %multiple_of3A = tpu.assume_multiple %mul3A_238, 128 : i32
          %jit3A_239 = arith.constant 4 : i32
          %eq3A_240 = arith.constant 0 : i32
          %eq3A_241 = arith.cmpi eq, %jit3A_239, %eq3A_240 : i32
          %jit3A_242 = arith.constant 1 : i32
          %select_n3A_243 = arith.select %eq3A_241, %jit3A_242, %jit3A_239 : i32
          %rem3A_244 = arith.remsi %sub3A_193, %select_n3A_243 : i32
          %ne3A_245 = arith.constant 0 : i32
          %ne3A_246 = arith.cmpi ne, %rem3A_244, %ne3A_245 : i32
          %lt3A_247 = arith.constant 0 : i32
          %lt3A_248 = arith.cmpi slt, %rem3A_244, %lt3A_247 : i32
          %lt3A_249 = arith.constant 0 : i32
          %lt3A_250 = arith.cmpi slt, %select_n3A_243, %lt3A_249 : i32
          %ne3A_251 = arith.xori %lt3A_248, %lt3A_250 : i1
          %and3A_252 = arith.andi %ne3A_251, %ne3A_246 : i1
          %add3A_253 = arith.addi %rem3A_244, %select_n3A_243 : i32
          %select_n3A_254 = arith.select %and3A_252, %add3A_253, %rem3A_244 : i32
          %jit3A_255 = arith.constant 4 : i32
          %eq3A_256 = arith.constant 0 : i32
          %eq3A_257 = arith.cmpi eq, %jit3A_255, %eq3A_256 : i32
          %jit3A_258 = arith.constant 1 : i32
          %select_n3A_259 = arith.select %eq3A_257, %jit3A_258, %jit3A_255 : i32
          %rem3A_260 = arith.remsi %sub3A_193, %select_n3A_259 : i32
          %ne3A_261 = arith.constant 0 : i32
          %ne3A_262 = arith.cmpi ne, %rem3A_260, %ne3A_261 : i32
          %lt3A_263 = arith.constant 0 : i32
          %lt3A_264 = arith.cmpi slt, %rem3A_260, %lt3A_263 : i32
          %lt3A_265 = arith.constant 0 : i32
          %lt3A_266 = arith.cmpi slt, %select_n3A_259, %lt3A_265 : i32
          %ne3A_267 = arith.xori %lt3A_264, %lt3A_266 : i1
          %and3A_268 = arith.andi %ne3A_267, %ne3A_262 : i1
          %add3A_269 = arith.addi %rem3A_260, %select_n3A_259 : i32
          %select_n3A_270 = arith.select %and3A_268, %add3A_269, %rem3A_260 : i32
          %dma_start3A = arith.constant 0 : i32
          %dma_start3A_271 = arith.constant 0 : i32
          %dma_start3A_272 = tpu.memref_slice %arg15[%select_n3A_254, %dma_start3A, %dma_start3A_271] : memref<4x64x128xf32, #tpu.memory_space<vmem>> -> memref<1x64x128xf32, #tpu.memory_space<vmem>>
          %dma_start3A_273 = tpu.memref_squeeze %dma_start3A_272 : memref<1x64x128xf32, #tpu.memory_space<vmem>> -> memref<64x128xf32, #tpu.memory_space<vmem>>
          %dma_start3A_274 = arith.constant 0 : i32
          %dma_start3A_275 = tpu.memref_slice %arg9[%dma_start3A_274, %multiple_of3A] : memref<64x1000001xf32, #tpu.memory_space<hbm>> -> memref<64x128xf32, #tpu.memory_space<hbm>>
          %dma_start3A_276 = tpu.memref_slice %arg18[%select_n3A_270] : memref<4x!tpu.dma_semaphore, #tpu.memory_space<semaphore_mem>> -> memref<1x!tpu.dma_semaphore, #tpu.memory_space<semaphore_mem>>
          %dma_start3A_277 = tpu.memref_squeeze %dma_start3A_276 : memref<1x!tpu.dma_semaphore, #tpu.memory_space<semaphore_mem>> -> memref<!tpu.dma_semaphore, #tpu.memory_space<semaphore_mem>>
          %dma_start3A_278 = arith.constant 0 : i32
          %dma_start3A_279 = arith.constant 0 : i32
          %dma_start3A_280 = tpu.memref_slice %arg15[%select_n3A_254, %dma_start3A_278, %dma_start3A_279] : memref<4x64x128xf32, #tpu.memory_space<vmem>> -> memref<1x64x128xf32, #tpu.memory_space<vmem>>
          %dma_start3A_281 = tpu.memref_squeeze %dma_start3A_280 : memref<1x64x128xf32, #tpu.memory_space<vmem>> -> memref<64x128xf32, #tpu.memory_space<vmem>>
          %dma_start3A_282 = arith.constant 0 : i32
          %dma_start3A_283 = tpu.memref_slice %arg9[%dma_start3A_282, %multiple_of3A] : memref<64x1000001xf32, #tpu.memory_space<hbm>> -> memref<64x128xf32, #tpu.memory_space<hbm>>
          tpu.enqueue_dma source(%dma_start3A_283 : memref<64x128xf32, #tpu.memory_space<hbm>>) target(%dma_start3A_281 : memref<64x128xf32, #tpu.memory_space<vmem>>) target_semaphore(%dma_start3A_277 : memref<!tpu.dma_semaphore, #tpu.memory_space<semaphore_mem>>)
        } else {
        }
        %get3A_211 = arith.index_cast %add3A_171 : i32 to index
        %get3A_212 = tpu.vector_load %arg14[%get3A_211] {strides = array<i32>} : memref<7830xi32, #tpu.memory_space<vmem>>, vector<16xi32>,
        %slice3A_213 = vector.extract_strided_slice %get3A_212 {offsets = [0], sizes = [1], strides = [1]} : vector<16xi32> to vector<1xi32>
        %squeeze3A_214 = vector.extract %slice3A_213[0] : i32 from vector<1xi32>
        %add3A_215 = arith.constant 1 : i32
        %add3A_216 = arith.addi %add3A_171, %add3A_215 : i32
        %get3A_217 = arith.index_cast %add3A_216 : i32 to index
        %get3A_218 = tpu.vector_load %arg14[%get3A_217] {strides = array<i32>} : memref<7830xi32, #tpu.memory_space<vmem>>, vector<16xi32>,
        %slice3A_219 = vector.extract_strided_slice %get3A_218 {offsets = [0], sizes = [1], strides = [1]} : vector<16xi32> to vector<1xi32>
        %squeeze3A_220 = vector.extract %slice3A_219[0] : i32 from vector<1xi32>
        %gt3A_221 = arith.cmpi sgt, %squeeze3A_220, %squeeze3A_214 : i32
        %convert_element_type3A_222 = arith.extui %gt3A_221 : i1 to i32
        %cond3A_223 = arith.constant 0 : i32
        %cond3A_224 = arith.cmpi ne, %convert_element_type3A_222, %cond3A_223 : i32
        scf.if %cond3A_224 {
          %jit3A_236 = arith.constant 4 : i32
          %eq3A_237 = arith.constant 0 : i32
          %eq3A_238 = arith.cmpi eq, %jit3A_236, %eq3A_237 : i32
          %jit3A_239 = arith.constant 1 : i32
          %select_n3A_240 = arith.select %eq3A_238, %jit3A_239, %jit3A_236 : i32
          %rem3A_241 = arith.remsi %scan3A_169, %select_n3A_240 : i32
          %ne3A_242 = arith.constant 0 : i32
          %ne3A_243 = arith.cmpi ne, %rem3A_241, %ne3A_242 : i32
          %lt3A_244 = arith.constant 0 : i32
          %lt3A_245 = arith.cmpi slt, %rem3A_241, %lt3A_244 : i32
          %lt3A_246 = arith.constant 0 : i32
          %lt3A_247 = arith.cmpi slt, %select_n3A_240, %lt3A_246 : i32
          %ne3A_248 = arith.xori %lt3A_245, %lt3A_247 : i1
          %and3A_249 = arith.andi %ne3A_248, %ne3A_243 : i1
          %add3A_250 = arith.addi %rem3A_241, %select_n3A_240 : i32
          %select_n3A_251 = arith.select %and3A_249, %add3A_250, %rem3A_241 : i32
          %dma_wait3A = arith.constant 0 : i32
          %dma_wait3A_252 = arith.constant 0 : i32
          %dma_wait3A_253 = tpu.memref_slice %arg15[%select_n3A_189, %dma_wait3A, %dma_wait3A_252] : memref<4x64x128xf32, #tpu.memory_space<vmem>> -> memref<1x64x128xf32, #tpu.memory_space<vmem>>
          %dma_wait3A_254 = tpu.memref_squeeze %dma_wait3A_253 : memref<1x64x128xf32, #tpu.memory_space<vmem>> -> memref<64x128xf32, #tpu.memory_space<vmem>>
          %dma_wait3A_255 = arith.constant 0 : i32
          %dma_wait3A_256 = arith.constant 0 : i32
          %dma_wait3A_257 = tpu.memref_slice %arg9[%dma_wait3A_255, %dma_wait3A_256] : memref<64x1000001xf32, #tpu.memory_space<hbm>> -> memref<64x128xf32, #tpu.memory_space<hbm>>
          %dma_wait3A_258 = tpu.memref_slice %arg18[%select_n3A_251] : memref<4x!tpu.dma_semaphore, #tpu.memory_space<semaphore_mem>> -> memref<1x!tpu.dma_semaphore, #tpu.memory_space<semaphore_mem>>
          %dma_wait3A_259 = tpu.memref_squeeze %dma_wait3A_258 : memref<1x!tpu.dma_semaphore, #tpu.memory_space<semaphore_mem>> -> memref<!tpu.dma_semaphore, #tpu.memory_space<semaphore_mem>>
          %dma_wait3A_260 = arith.constant 0 : i32
          %dma_wait3A_261 = arith.constant 0 : i32
          %dma_wait3A_262 = tpu.memref_slice %arg15[%select_n3A_189, %dma_wait3A_260, %dma_wait3A_261] : memref<4x64x128xf32, #tpu.memory_space<vmem>> -> memref<1x64x128xf32, #tpu.memory_space<vmem>>
          %dma_wait3A_263 = tpu.memref_squeeze %dma_wait3A_262 : memref<1x64x128xf32, #tpu.memory_space<vmem>> -> memref<64x128xf32, #tpu.memory_space<vmem>>
          %dma_wait3A_264 = arith.constant 0 : i32
          %dma_wait3A_265 = arith.constant 0 : i32
          %dma_wait3A_266 = tpu.memref_slice %arg9[%dma_wait3A_264, %dma_wait3A_265] : memref<64x1000001xf32, #tpu.memory_space<hbm>> -> memref<64x128xf32, #tpu.memory_space<hbm>>
          tpu.wait_dma2 semaphore(%dma_wait3A_259 : memref<!tpu.dma_semaphore, #tpu.memory_space<semaphore_mem>>) src(%dma_wait3A_266 : memref<64x128xf32, #tpu.memory_space<hbm>>) dst(%dma_wait3A_263 : memref<64x128xf32, #tpu.memory_space<vmem>>)
        } else {
        }
        %sub3A_225 = arith.subi %squeeze3A_220, %squeeze3A_214 : i32
        %while3A = arith.constant 0 : i32
        %while3A_226 = arith.constant 0 : i32
        %while3A_227 = arith.subi %sub3A_225, %while3A_226 : i32
        %while3A_228 = arith.addi %while3A_226, %while3A_227 : i32
        %while3A_229 = arith.constant 1 : i32
        %while3A_230 = arith.divsi %while3A_227, %while3A_229 : i32
        %while3A_231 = arith.muli %while3A_230, %while3A_229 : i32
        %while3A_232 = arith.addi %while3A_226, %while3A_231 : i32
        %while3A_233 = arith.constant 1 : i32
        scf.for %while3A_236 = %while3A_226 to %while3A_232 step %while3A_233  : i32 {
          %add3A_237 = arith.addi %squeeze3A_214, %while3A_236 : i32
          %get3A_238 = arith.index_cast %add3A_237 : i32 to index
          %get3A_239 = tpu.vector_load %arg11[%get3A_238] {strides = array<i32>} : memref<32784xi32, #tpu.memory_space<vmem>>, vector<16xi32>,
          %slice3A_240 = vector.extract_strided_slice %get3A_239 {offsets = [0], sizes = [1], strides = [1]} : vector<16xi32> to vector<1xi32>
          %squeeze3A_241 = vector.extract %slice3A_240[0] : i32 from vector<1xi32>
          %get3A_242 = arith.index_cast %add3A_237 : i32 to index
          %get3A_243 = tpu.vector_load %arg12[%get3A_242] {strides = array<i32>} : memref<32784xi32, #tpu.memory_space<vmem>>, vector<16xi32>,
          %slice3A_244 = vector.extract_strided_slice %get3A_243 {offsets = [0], sizes = [1], strides = [1]} : vector<16xi32> to vector<1xi32>
          %squeeze3A_245 = vector.extract %slice3A_244[0] : i32 from vector<1xi32>
          %and3A_246 = arith.constant 127 : i32
          %and3A_247 = arith.andi %squeeze3A_241, %and3A_246 : i32
          %broadcast_in_dim3A = vector.broadcast %and3A_247 : i32 to vector<16xi32>
          %add3A_248 = arith.addi %scan3A_170, %while3A_236 : i32
          %jit3A_249 = arith.constant 8 : i32
          %eq3A_250 = arith.constant 0 : i32
          %eq3A_251 = arith.cmpi eq, %jit3A_249, %eq3A_250 : i32
          %jit3A_252 = arith.constant 1 : i32
          %select_n3A_253 = arith.select %eq3A_251, %jit3A_252, %jit3A_249 : i32
          %rem3A_254 = arith.remsi %add3A_248, %select_n3A_253 : i32
          %ne3A_255 = arith.constant 0 : i32
          %ne3A_256 = arith.cmpi ne, %rem3A_254, %ne3A_255 : i32
          %lt3A_257 = arith.constant 0 : i32
          %lt3A_258 = arith.cmpi slt, %rem3A_254, %lt3A_257 : i32
          %lt3A_259 = arith.constant 0 : i32
          %lt3A_260 = arith.cmpi slt, %select_n3A_253, %lt3A_259 : i32
          %ne3A_261 = arith.xori %lt3A_258, %lt3A_260 : i1
          %and3A_262 = arith.andi %ne3A_261, %ne3A_256 : i1
          %add3A_263 = arith.addi %rem3A_254, %select_n3A_253 : i32
          %select_n3A_264 = arith.select %and3A_262, %add3A_263, %rem3A_254 : i32
          %add3A_265 = arith.addi %scan3A_170, %while3A_236 : i32
          %ge3A = arith.constant 8 : i32
          %ge3A_266 = arith.cmpi sge, %add3A_265, %ge3A : i32
          %convert_element_type3A_267 = arith.extui %ge3A_266 : i1 to i32
          %cond3A_268 = arith.constant 0 : i32
          %cond3A_269 = arith.cmpi ne, %convert_element_type3A_267, %cond3A_268 : i32
          scf.if %cond3A_269 {
            %dma_wait3A = arith.constant 0 : i32
            %dma_wait3A_347 = arith.constant 0 : i32
            %dma_wait3A_348 = tpu.memref_slice %arg16[%select_n3A_264, %dma_wait3A, %dma_wait3A_347] : memref<8x1x64xf32, #tpu.memory_space<vmem>> -> memref<1x1x64xf32, #tpu.memory_space<vmem>>
            %dma_wait3A_349 = tpu.memref_squeeze %dma_wait3A_348 : memref<1x1x64xf32, #tpu.memory_space<vmem>> -> memref<1x64xf32, #tpu.memory_space<vmem>>
            %dma_wait3A_350 = arith.constant 0 : i32
            %dma_wait3A_351 = arith.constant 0 : i32
            %dma_wait3A_352 = tpu.memref_slice %arg10[%dma_wait3A_350, %dma_wait3A_351] : memref<49152x64xf32, #tpu.memory_space<hbm>> -> memref<1x64xf32, #tpu.memory_space<hbm>>
            %dma_wait3A_353 = tpu.memref_slice %arg17[%select_n3A_264] : memref<8x!tpu.dma_semaphore, #tpu.memory_space<semaphore_mem>> -> memref<1x!tpu.dma_semaphore, #tpu.memory_space<semaphore_mem>>
            %dma_wait3A_354 = tpu.memref_squeeze %dma_wait3A_353 : memref<1x!tpu.dma_semaphore, #tpu.memory_space<semaphore_mem>> -> memref<!tpu.dma_semaphore, #tpu.memory_space<semaphore_mem>>
            %dma_wait3A_355 = arith.constant 0 : i32
            %dma_wait3A_356 = arith.constant 0 : i32
            %dma_wait3A_357 = tpu.memref_slice %arg10[%dma_wait3A_355, %dma_wait3A_356] : memref<49152x64xf32, #tpu.memory_space<hbm>> -> memref<1x64xf32, #tpu.memory_space<hbm>>
            %dma_wait3A_358 = arith.constant 0 : i32
            %dma_wait3A_359 = arith.constant 0 : i32
            %dma_wait3A_360 = tpu.memref_slice %arg16[%select_n3A_264, %dma_wait3A_358, %dma_wait3A_359] : memref<8x1x64xf32, #tpu.memory_space<vmem>> -> memref<1x1x64xf32, #tpu.memory_space<vmem>>
            %dma_wait3A_361 = tpu.memref_squeeze %dma_wait3A_360 : memref<1x1x64xf32, #tpu.memory_space<vmem>> -> memref<1x64xf32, #tpu.memory_space<vmem>>
            tpu.wait_dma2 semaphore(%dma_wait3A_354 : memref<!tpu.dma_semaphore, #tpu.memory_space<semaphore_mem>>) src(%dma_wait3A_361 : memref<1x64xf32, #tpu.memory_space<vmem>>) dst(%dma_wait3A_357 : memref<1x64xf32, #tpu.memory_space<hbm>>)
          } else {
          }
          %add3A_270 = arith.constant 0 : i32
          %add3A_271 = vector.broadcast %add3A_270 : i32 to vector<16xi32>
          %add3A_272 = arith.addi %iota3A_79, %add3A_271 : vector<16xi32>
          %gather3A = arith.constant 0 : i32
          %gather3A_273 = arith.constant 0 : i32
          %gather3A_274 = tpu.memref_slice %arg15[%select_n3A_189, %gather3A, %gather3A_273] : memref<4x64x128xf32, #tpu.memory_space<vmem>> -> memref<1x64x128xf32, #tpu.memory_space<vmem>>
          %gather3A_275 = tpu.memref_squeeze %gather3A_274 : memref<1x64x128xf32, #tpu.memory_space<vmem>> -> memref<64x128xf32, #tpu.memory_space<vmem>>
          %gather3A_276 = tpu.vector_load_idx %gather3A_275[%add3A_272, %broadcast_in_dim3A] : memref<64x128xf32, #tpu.memory_space<vmem>>[vector<16xi32>, vector<16xi32>], vector<16xf32>,
          %swap3A = arith.constant 0 : i32
          %swap3A_277 = arith.constant 0 : i32
          %swap3A_278 = arith.constant 0 : i32
          %swap3A_279 = tpu.memref_slice %arg16[%select_n3A_264, %swap3A_277, %swap3A_278] : memref<8x1x64xf32, #tpu.memory_space<vmem>> -> memref<1x1x64xf32, #tpu.memory_space<vmem>>
          %swap3A_280 = tpu.memref_squeeze %swap3A_279 : memref<1x1x64xf32, #tpu.memory_space<vmem>> -> memref<1x64xf32, #tpu.memory_space<vmem>>
          %swap3A_281 = arith.index_cast %swap3A : i32 to index
          %swap3A_282 = arith.constant 0 : index
          %swap3A_283 = tpu.vector_load %swap3A_280[%swap3A_281, %swap3A_282] {strides = array<i32>} : memref<1x64xf32, #tpu.memory_space<vmem>>, vector<16xf32>,
          tpu.vector_store %swap3A_280[%swap3A_281, %swap3A_282], %gather3A_276 {strides = array<i32>} : memref<1x64xf32, #tpu.memory_space<vmem>>, vector<16xf32>,
          %add3A_284 = arith.constant 16 : i32
          %add3A_285 = vector.broadcast %add3A_284 : i32 to vector<16xi32>
          %add3A_286 = arith.addi %iota3A_79, %add3A_285 : vector<16xi32>
          %gather3A_287 = arith.constant 0 : i32
          %gather3A_288 = arith.constant 0 : i32
          %gather3A_289 = tpu.memref_slice %arg15[%select_n3A_189, %gather3A_287, %gather3A_288] : memref<4x64x128xf32, #tpu.memory_space<vmem>> -> memref<1x64x128xf32, #tpu.memory_space<vmem>>
          %gather3A_290 = tpu.memref_squeeze %gather3A_289 : memref<1x64x128xf32, #tpu.memory_space<vmem>> -> memref<64x128xf32, #tpu.memory_space<vmem>>
          %gather3A_291 = tpu.vector_load_idx %gather3A_290[%add3A_286, %broadcast_in_dim3A] : memref<64x128xf32, #tpu.memory_space<vmem>>[vector<16xi32>, vector<16xi32>], vector<16xf32>,
          %swap3A_292 = arith.constant 0 : i32
          %swap3A_293 = arith.constant 0 : i32
          %swap3A_294 = arith.constant 0 : i32
          %swap3A_295 = tpu.memref_slice %arg16[%select_n3A_264, %swap3A_293, %swap3A_294] : memref<8x1x64xf32, #tpu.memory_space<vmem>> -> memref<1x1x64xf32, #tpu.memory_space<vmem>>
          %swap3A_296 = tpu.memref_squeeze %swap3A_295 : memref<1x1x64xf32, #tpu.memory_space<vmem>> -> memref<1x64xf32, #tpu.memory_space<vmem>>
          %swap3A_297 = arith.index_cast %swap3A_292 : i32 to index
          %swap3A_298 = arith.constant 16 : index
          %swap3A_299 = tpu.vector_load %swap3A_296[%swap3A_297, %swap3A_298] {strides = array<i32>} : memref<1x64xf32, #tpu.memory_space<vmem>>, vector<16xf32>,
          tpu.vector_store %swap3A_296[%swap3A_297, %swap3A_298], %gather3A_291 {strides = array<i32>} : memref<1x64xf32, #tpu.memory_space<vmem>>, vector<16xf32>,
          %add3A_300 = arith.constant 32 : i32
          %add3A_301 = vector.broadcast %add3A_300 : i32 to vector<16xi32>
          %add3A_302 = arith.addi %iota3A_79, %add3A_301 : vector<16xi32>
          %gather3A_303 = arith.constant 0 : i32
          %gather3A_304 = arith.constant 0 : i32
          %gather3A_305 = tpu.memref_slice %arg15[%select_n3A_189, %gather3A_303, %gather3A_304] : memref<4x64x128xf32, #tpu.memory_space<vmem>> -> memref<1x64x128xf32, #tpu.memory_space<vmem>>
          %gather3A_306 = tpu.memref_squeeze %gather3A_305 : memref<1x64x128xf32, #tpu.memory_space<vmem>> -> memref<64x128xf32, #tpu.memory_space<vmem>>
          %gather3A_307 = tpu.vector_load_idx %gather3A_306[%add3A_302, %broadcast_in_dim3A] : memref<64x128xf32, #tpu.memory_space<vmem>>[vector<16xi32>, vector<16xi32>], vector<16xf32>,
          %swap3A_308 = arith.constant 0 : i32
          %swap3A_309 = arith.constant 0 : i32
          %swap3A_310 = arith.constant 0 : i32
          %swap3A_311 = tpu.memref_slice %arg16[%select_n3A_264, %swap3A_309, %swap3A_310] : memref<8x1x64xf32, #tpu.memory_space<vmem>> -> memref<1x1x64xf32, #tpu.memory_space<vmem>>
          %swap3A_312 = tpu.memref_squeeze %swap3A_311 : memref<1x1x64xf32, #tpu.memory_space<vmem>> -> memref<1x64xf32, #tpu.memory_space<vmem>>
          %swap3A_313 = arith.index_cast %swap3A_308 : i32 to index
          %swap3A_314 = arith.constant 32 : index
          %swap3A_315 = tpu.vector_load %swap3A_312[%swap3A_313, %swap3A_314] {strides = array<i32>} : memref<1x64xf32, #tpu.memory_space<vmem>>, vector<16xf32>,
          tpu.vector_store %swap3A_312[%swap3A_313, %swap3A_314], %gather3A_307 {strides = array<i32>} : memref<1x64xf32, #tpu.memory_space<vmem>>, vector<16xf32>,
          %add3A_316 = arith.constant 48 : i32
          %add3A_317 = vector.broadcast %add3A_316 : i32 to vector<16xi32>
          %add3A_318 = arith.addi %iota3A_79, %add3A_317 : vector<16xi32>
          %gather3A_319 = arith.constant 0 : i32
          %gather3A_320 = arith.constant 0 : i32
          %gather3A_321 = tpu.memref_slice %arg15[%select_n3A_189, %gather3A_319, %gather3A_320] : memref<4x64x128xf32, #tpu.memory_space<vmem>> -> memref<1x64x128xf32, #tpu.memory_space<vmem>>
          %gather3A_322 = tpu.memref_squeeze %gather3A_321 : memref<1x64x128xf32, #tpu.memory_space<vmem>> -> memref<64x128xf32, #tpu.memory_space<vmem>>
          %gather3A_323 = tpu.vector_load_idx %gather3A_322[%add3A_318, %broadcast_in_dim3A] : memref<64x128xf32, #tpu.memory_space<vmem>>[vector<16xi32>, vector<16xi32>], vector<16xf32>,
          %swap3A_324 = arith.constant 0 : i32
          %swap3A_325 = arith.constant 0 : i32
          %swap3A_326 = arith.constant 0 : i32
          %swap3A_327 = tpu.memref_slice %arg16[%select_n3A_264, %swap3A_325, %swap3A_326] : memref<8x1x64xf32, #tpu.memory_space<vmem>> -> memref<1x1x64xf32, #tpu.memory_space<vmem>>
          %swap3A_328 = tpu.memref_squeeze %swap3A_327 : memref<1x1x64xf32, #tpu.memory_space<vmem>> -> memref<1x64xf32, #tpu.memory_space<vmem>>
          %swap3A_329 = arith.index_cast %swap3A_324 : i32 to index
          %swap3A_330 = arith.constant 48 : index
          %swap3A_331 = tpu.vector_load %swap3A_328[%swap3A_329, %swap3A_330] {strides = array<i32>} : memref<1x64xf32, #tpu.memory_space<vmem>>, vector<16xf32>,
          tpu.vector_store %swap3A_328[%swap3A_329, %swap3A_330], %gather3A_323 {strides = array<i32>} : memref<1x64xf32, #tpu.memory_space<vmem>>, vector<16xf32>,
          %add3A_332 = arith.constant 16384 : i32
          %add3A_333 = arith.addi %add3A_332, %squeeze3A_245 : i32
          %dma_start3A = arith.constant 0 : i32
          %dma_start3A_334 = arith.constant 0 : i32
          %dma_start3A_335 = tpu.memref_slice %arg16[%select_n3A_264, %dma_start3A, %dma_start3A_334] : memref<8x1x64xf32, #tpu.memory_space<vmem>> -> memref<1x1x64xf32, #tpu.memory_space<vmem>>
          %dma_start3A_336 = tpu.memref_squeeze %dma_start3A_335 : memref<1x1x64xf32, #tpu.memory_space<vmem>> -> memref<1x64xf32, #tpu.memory_space<vmem>>
          %dma_start3A_337 = arith.constant 0 : i32
          %dma_start3A_338 = tpu.memref_slice %arg10[%add3A_333, %dma_start3A_337] : memref<49152x64xf32, #tpu.memory_space<hbm>> -> memref<1x64xf32, #tpu.memory_space<hbm>>
          %dma_start3A_339 = tpu.memref_slice %arg17[%select_n3A_264] : memref<8x!tpu.dma_semaphore, #tpu.memory_space<semaphore_mem>> -> memref<1x!tpu.dma_semaphore, #tpu.memory_space<semaphore_mem>>
          %dma_start3A_340 = tpu.memref_squeeze %dma_start3A_339 : memref<1x!tpu.dma_semaphore, #tpu.memory_space<semaphore_mem>> -> memref<!tpu.dma_semaphore, #tpu.memory_space<semaphore_mem>>
          %dma_start3A_341 = arith.constant 0 : i32
          %dma_start3A_342 = tpu.memref_slice %arg10[%add3A_333, %dma_start3A_341] : memref<49152x64xf32, #tpu.memory_space<hbm>> -> memref<1x64xf32, #tpu.memory_space<hbm>>
          %dma_start3A_343 = arith.constant 0 : i32
          %dma_start3A_344 = arith.constant 0 : i32
          %dma_start3A_345 = tpu.memref_slice %arg16[%select_n3A_264, %dma_start3A_343, %dma_start3A_344] : memref<8x1x64xf32, #tpu.memory_space<vmem>> -> memref<1x1x64xf32, #tpu.memory_space<vmem>>
          %dma_start3A_346 = tpu.memref_squeeze %dma_start3A_345 : memref<1x1x64xf32, #tpu.memory_space<vmem>> -> memref<1x64xf32, #tpu.memory_space<vmem>>
          tpu.enqueue_dma source(%dma_start3A_346 : memref<1x64xf32, #tpu.memory_space<vmem>>) target(%dma_start3A_342 : memref<1x64xf32, #tpu.memory_space<hbm>>) target_semaphore(%dma_start3A_340 : memref<!tpu.dma_semaphore, #tpu.memory_space<semaphore_mem>>)
        }
        %while3A_234 = arith.constant 1 : i32
        scf.for %while3A_236 = %while3A_232 to %while3A_228 step %while3A_234  : i32 {
          %add3A_237 = arith.addi %squeeze3A_214, %while3A_236 : i32
          %get3A_238 = arith.index_cast %add3A_237 : i32 to index
          %get3A_239 = tpu.vector_load %arg11[%get3A_238] {strides = array<i32>} : memref<32784xi32, #tpu.memory_space<vmem>>, vector<16xi32>,
          %slice3A_240 = vector.extract_strided_slice %get3A_239 {offsets = [0], sizes = [1], strides = [1]} : vector<16xi32> to vector<1xi32>
          %squeeze3A_241 = vector.extract %slice3A_240[0] : i32 from vector<1xi32>
          %get3A_242 = arith.index_cast %add3A_237 : i32 to index
          %get3A_243 = tpu.vector_load %arg12[%get3A_242] {strides = array<i32>} : memref<32784xi32, #tpu.memory_space<vmem>>, vector<16xi32>,
          %slice3A_244 = vector.extract_strided_slice %get3A_243 {offsets = [0], sizes = [1], strides = [1]} : vector<16xi32> to vector<1xi32>
          %squeeze3A_245 = vector.extract %slice3A_244[0] : i32 from vector<1xi32>
          %and3A_246 = arith.constant 127 : i32
          %and3A_247 = arith.andi %squeeze3A_241, %and3A_246 : i32
          %broadcast_in_dim3A = vector.broadcast %and3A_247 : i32 to vector<16xi32>
          %add3A_248 = arith.addi %scan3A_170, %while3A_236 : i32
          %jit3A_249 = arith.constant 8 : i32
          %eq3A_250 = arith.constant 0 : i32
          %eq3A_251 = arith.cmpi eq, %jit3A_249, %eq3A_250 : i32
          %jit3A_252 = arith.constant 1 : i32
          %select_n3A_253 = arith.select %eq3A_251, %jit3A_252, %jit3A_249 : i32
          %rem3A_254 = arith.remsi %add3A_248, %select_n3A_253 : i32
          %ne3A_255 = arith.constant 0 : i32
          %ne3A_256 = arith.cmpi ne, %rem3A_254, %ne3A_255 : i32
          %lt3A_257 = arith.constant 0 : i32
          %lt3A_258 = arith.cmpi slt, %rem3A_254, %lt3A_257 : i32
          %lt3A_259 = arith.constant 0 : i32
          %lt3A_260 = arith.cmpi slt, %select_n3A_253, %lt3A_259 : i32
          %ne3A_261 = arith.xori %lt3A_258, %lt3A_260 : i1
          %and3A_262 = arith.andi %ne3A_261, %ne3A_256 : i1
          %add3A_263 = arith.addi %rem3A_254, %select_n3A_253 : i32
          %select_n3A_264 = arith.select %and3A_262, %add3A_263, %rem3A_254 : i32
          %add3A_265 = arith.addi %scan3A_170, %while3A_236 : i32
          %ge3A = arith.constant 8 : i32
          %ge3A_266 = arith.cmpi sge, %add3A_265, %ge3A : i32
          %convert_element_type3A_267 = arith.extui %ge3A_266 : i1 to i32
          %cond3A_268 = arith.constant 0 : i32
          %cond3A_269 = arith.cmpi ne, %convert_element_type3A_267, %cond3A_268 : i32
          scf.if %cond3A_269 {
            %dma_wait3A = arith.constant 0 : i32
            %dma_wait3A_347 = arith.constant 0 : i32
            %dma_wait3A_348 = tpu.memref_slice %arg16[%select_n3A_264, %dma_wait3A, %dma_wait3A_347] : memref<8x1x64xf32, #tpu.memory_space<vmem>> -> memref<1x1x64xf32, #tpu.memory_space<vmem>>
            %dma_wait3A_349 = tpu.memref_squeeze %dma_wait3A_348 : memref<1x1x64xf32, #tpu.memory_space<vmem>> -> memref<1x64xf32, #tpu.memory_space<vmem>>
            %dma_wait3A_350 = arith.constant 0 : i32
            %dma_wait3A_351 = arith.constant 0 : i32
            %dma_wait3A_352 = tpu.memref_slice %arg10[%dma_wait3A_350, %dma_wait3A_351] : memref<49152x64xf32, #tpu.memory_space<hbm>> -> memref<1x64xf32, #tpu.memory_space<hbm>>
            %dma_wait3A_353 = tpu.memref_slice %arg17[%select_n3A_264] : memref<8x!tpu.dma_semaphore, #tpu.memory_space<semaphore_mem>> -> memref<1x!tpu.dma_semaphore, #tpu.memory_space<semaphore_mem>>
            %dma_wait3A_354 = tpu.memref_squeeze %dma_wait3A_353 : memref<1x!tpu.dma_semaphore, #tpu.memory_space<semaphore_mem>> -> memref<!tpu.dma_semaphore, #tpu.memory_space<semaphore_mem>>
            %dma_wait3A_355 = arith.constant 0 : i32
            %dma_wait3A_356 = arith.constant 0 : i32
            %dma_wait3A_357 = tpu.memref_slice %arg10[%dma_wait3A_355, %dma_wait3A_356] : memref<49152x64xf32, #tpu.memory_space<hbm>> -> memref<1x64xf32, #tpu.memory_space<hbm>>
            %dma_wait3A_358 = arith.constant 0 : i32
            %dma_wait3A_359 = arith.constant 0 : i32
            %dma_wait3A_360 = tpu.memref_slice %arg16[%select_n3A_264, %dma_wait3A_358, %dma_wait3A_359] : memref<8x1x64xf32, #tpu.memory_space<vmem>> -> memref<1x1x64xf32, #tpu.memory_space<vmem>>
            %dma_wait3A_361 = tpu.memref_squeeze %dma_wait3A_360 : memref<1x1x64xf32, #tpu.memory_space<vmem>> -> memref<1x64xf32, #tpu.memory_space<vmem>>
            tpu.wait_dma2 semaphore(%dma_wait3A_354 : memref<!tpu.dma_semaphore, #tpu.memory_space<semaphore_mem>>) src(%dma_wait3A_361 : memref<1x64xf32, #tpu.memory_space<vmem>>) dst(%dma_wait3A_357 : memref<1x64xf32, #tpu.memory_space<hbm>>)
          } else {
          }
          %add3A_270 = arith.constant 0 : i32
          %add3A_271 = vector.broadcast %add3A_270 : i32 to vector<16xi32>
          %add3A_272 = arith.addi %iota3A_79, %add3A_271 : vector<16xi32>
          %gather3A = arith.constant 0 : i32
          %gather3A_273 = arith.constant 0 : i32
          %gather3A_274 = tpu.memref_slice %arg15[%select_n3A_189, %gather3A, %gather3A_273] : memref<4x64x128xf32, #tpu.memory_space<vmem>> -> memref<1x64x128xf32, #tpu.memory_space<vmem>>
          %gather3A_275 = tpu.memref_squeeze %gather3A_274 : memref<1x64x128xf32, #tpu.memory_space<vmem>> -> memref<64x128xf32, #tpu.memory_space<vmem>>
          %gather3A_276 = tpu.vector_load_idx %gather3A_275[%add3A_272, %broadcast_in_dim3A] : memref<64x128xf32, #tpu.memory_space<vmem>>[vector<16xi32>, vector<16xi32>], vector<16xf32>,
          %swap3A = arith.constant 0 : i32
          %swap3A_277 = arith.constant 0 : i32
          %swap3A_278 = arith.constant 0 : i32
          %swap3A_279 = tpu.memref_slice %arg16[%select_n3A_264, %swap3A_277, %swap3A_278] : memref<8x1x64xf32, #tpu.memory_space<vmem>> -> memref<1x1x64xf32, #tpu.memory_space<vmem>>
          %swap3A_280 = tpu.memref_squeeze %swap3A_279 : memref<1x1x64xf32, #tpu.memory_space<vmem>> -> memref<1x64xf32, #tpu.memory_space<vmem>>
          %swap3A_281 = arith.index_cast %swap3A : i32 to index
          %swap3A_282 = arith.constant 0 : index
          %swap3A_283 = tpu.vector_load %swap3A_280[%swap3A_281, %swap3A_282] {strides = array<i32>} : memref<1x64xf32, #tpu.memory_space<vmem>>, vector<16xf32>,
          tpu.vector_store %swap3A_280[%swap3A_281, %swap3A_282], %gather3A_276 {strides = array<i32>} : memref<1x64xf32, #tpu.memory_space<vmem>>, vector<16xf32>,
          %add3A_284 = arith.constant 16 : i32
          %add3A_285 = vector.broadcast %add3A_284 : i32 to vector<16xi32>
          %add3A_286 = arith.addi %iota3A_79, %add3A_285 : vector<16xi32>
          %gather3A_287 = arith.constant 0 : i32
          %gather3A_288 = arith.constant 0 : i32
          %gather3A_289 = tpu.memref_slice %arg15[%select_n3A_189, %gather3A_287, %gather3A_288] : memref<4x64x128xf32, #tpu.memory_space<vmem>> -> memref<1x64x128xf32, #tpu.memory_space<vmem>>
          %gather3A_290 = tpu.memref_squeeze %gather3A_289 : memref<1x64x128xf32, #tpu.memory_space<vmem>> -> memref<64x128xf32, #tpu.memory_space<vmem>>
          %gather3A_291 = tpu.vector_load_idx %gather3A_290[%add3A_286, %broadcast_in_dim3A] : memref<64x128xf32, #tpu.memory_space<vmem>>[vector<16xi32>, vector<16xi32>], vector<16xf32>,
          %swap3A_292 = arith.constant 0 : i32
          %swap3A_293 = arith.constant 0 : i32
          %swap3A_294 = arith.constant 0 : i32
          %swap3A_295 = tpu.memref_slice %arg16[%select_n3A_264, %swap3A_293, %swap3A_294] : memref<8x1x64xf32, #tpu.memory_space<vmem>> -> memref<1x1x64xf32, #tpu.memory_space<vmem>>
          %swap3A_296 = tpu.memref_squeeze %swap3A_295 : memref<1x1x64xf32, #tpu.memory_space<vmem>> -> memref<1x64xf32, #tpu.memory_space<vmem>>
          %swap3A_297 = arith.index_cast %swap3A_292 : i32 to index
          %swap3A_298 = arith.constant 16 : index
          %swap3A_299 = tpu.vector_load %swap3A_296[%swap3A_297, %swap3A_298] {strides = array<i32>} : memref<1x64xf32, #tpu.memory_space<vmem>>, vector<16xf32>,
          tpu.vector_store %swap3A_296[%swap3A_297, %swap3A_298], %gather3A_291 {strides = array<i32>} : memref<1x64xf32, #tpu.memory_space<vmem>>, vector<16xf32>,
          %add3A_300 = arith.constant 32 : i32
          %add3A_301 = vector.broadcast %add3A_300 : i32 to vector<16xi32>
          %add3A_302 = arith.addi %iota3A_79, %add3A_301 : vector<16xi32>
          %gather3A_303 = arith.constant 0 : i32
          %gather3A_304 = arith.constant 0 : i32
          %gather3A_305 = tpu.memref_slice %arg15[%select_n3A_189, %gather3A_303, %gather3A_304] : memref<4x64x128xf32, #tpu.memory_space<vmem>> -> memref<1x64x128xf32, #tpu.memory_space<vmem>>
          %gather3A_306 = tpu.memref_squeeze %gather3A_305 : memref<1x64x128xf32, #tpu.memory_space<vmem>> -> memref<64x128xf32, #tpu.memory_space<vmem>>
          %gather3A_307 = tpu.vector_load_idx %gather3A_306[%add3A_302, %broadcast_in_dim3A] : memref<64x128xf32, #tpu.memory_space<vmem>>[vector<16xi32>, vector<16xi32>], vector<16xf32>,
          %swap3A_308 = arith.constant 0 : i32
          %swap3A_309 = arith.constant 0 : i32
          %swap3A_310 = arith.constant 0 : i32
          %swap3A_311 = tpu.memref_slice %arg16[%select_n3A_264, %swap3A_309, %swap3A_310] : memref<8x1x64xf32, #tpu.memory_space<vmem>> -> memref<1x1x64xf32, #tpu.memory_space<vmem>>
          %swap3A_312 = tpu.memref_squeeze %swap3A_311 : memref<1x1x64xf32, #tpu.memory_space<vmem>> -> memref<1x64xf32, #tpu.memory_space<vmem>>
          %swap3A_313 = arith.index_cast %swap3A_308 : i32 to index
          %swap3A_314 = arith.constant 32 : index
          %swap3A_315 = tpu.vector_load %swap3A_312[%swap3A_313, %swap3A_314] {strides = array<i32>} : memref<1x64xf32, #tpu.memory_space<vmem>>, vector<16xf32>,
          tpu.vector_store %swap3A_312[%swap3A_313, %swap3A_314], %gather3A_307 {strides = array<i32>} : memref<1x64xf32, #tpu.memory_space<vmem>>, vector<16xf32>,
          %add3A_316 = arith.constant 48 : i32
          %add3A_317 = vector.broadcast %add3A_316 : i32 to vector<16xi32>
          %add3A_318 = arith.addi %iota3A_79, %add3A_317 : vector<16xi32>
          %gather3A_319 = arith.constant 0 : i32
          %gather3A_320 = arith.constant 0 : i32
          %gather3A_321 = tpu.memref_slice %arg15[%select_n3A_189, %gather3A_319, %gather3A_320] : memref<4x64x128xf32, #tpu.memory_space<vmem>> -> memref<1x64x128xf32, #tpu.memory_space<vmem>>
          %gather3A_322 = tpu.memref_squeeze %gather3A_321 : memref<1x64x128xf32, #tpu.memory_space<vmem>> -> memref<64x128xf32, #tpu.memory_space<vmem>>
          %gather3A_323 = tpu.vector_load_idx %gather3A_322[%add3A_318, %broadcast_in_dim3A] : memref<64x128xf32, #tpu.memory_space<vmem>>[vector<16xi32>, vector<16xi32>], vector<16xf32>,
          %swap3A_324 = arith.constant 0 : i32
          %swap3A_325 = arith.constant 0 : i32
          %swap3A_326 = arith.constant 0 : i32
          %swap3A_327 = tpu.memref_slice %arg16[%select_n3A_264, %swap3A_325, %swap3A_326] : memref<8x1x64xf32, #tpu.memory_space<vmem>> -> memref<1x1x64xf32, #tpu.memory_space<vmem>>
          %swap3A_328 = tpu.memref_squeeze %swap3A_327 : memref<1x1x64xf32, #tpu.memory_space<vmem>> -> memref<1x64xf32, #tpu.memory_space<vmem>>
          %swap3A_329 = arith.index_cast %swap3A_324 : i32 to index
          %swap3A_330 = arith.constant 48 : index
          %swap3A_331 = tpu.vector_load %swap3A_328[%swap3A_329, %swap3A_330] {strides = array<i32>} : memref<1x64xf32, #tpu.memory_space<vmem>>, vector<16xf32>,
          tpu.vector_store %swap3A_328[%swap3A_329, %swap3A_330], %gather3A_323 {strides = array<i32>} : memref<1x64xf32, #tpu.memory_space<vmem>>, vector<16xf32>,
          %add3A_332 = arith.constant 16384 : i32
          %add3A_333 = arith.addi %add3A_332, %squeeze3A_245 : i32
          %dma_start3A = arith.constant 0 : i32
          %dma_start3A_334 = arith.constant 0 : i32
          %dma_start3A_335 = tpu.memref_slice %arg16[%select_n3A_264, %dma_start3A, %dma_start3A_334] : memref<8x1x64xf32, #tpu.memory_space<vmem>> -> memref<1x1x64xf32, #tpu.memory_space<vmem>>
          %dma_start3A_336 = tpu.memref_squeeze %dma_start3A_335 : memref<1x1x64xf32, #tpu.memory_space<vmem>> -> memref<1x64xf32, #tpu.memory_space<vmem>>
          %dma_start3A_337 = arith.constant 0 : i32
          %dma_start3A_338 = tpu.memref_slice %arg10[%add3A_333, %dma_start3A_337] : memref<49152x64xf32, #tpu.memory_space<hbm>> -> memref<1x64xf32, #tpu.memory_space<hbm>>
          %dma_start3A_339 = tpu.memref_slice %arg17[%select_n3A_264] : memref<8x!tpu.dma_semaphore, #tpu.memory_space<semaphore_mem>> -> memref<1x!tpu.dma_semaphore, #tpu.memory_space<semaphore_mem>>
          %dma_start3A_340 = tpu.memref_squeeze %dma_start3A_339 : memref<1x!tpu.dma_semaphore, #tpu.memory_space<semaphore_mem>> -> memref<!tpu.dma_semaphore, #tpu.memory_space<semaphore_mem>>
          %dma_start3A_341 = arith.constant 0 : i32
          %dma_start3A_342 = tpu.memref_slice %arg10[%add3A_333, %dma_start3A_341] : memref<49152x64xf32, #tpu.memory_space<hbm>> -> memref<1x64xf32, #tpu.memory_space<hbm>>
          %dma_start3A_343 = arith.constant 0 : i32
          %dma_start3A_344 = arith.constant 0 : i32
          %dma_start3A_345 = tpu.memref_slice %arg16[%select_n3A_264, %dma_start3A_343, %dma_start3A_344] : memref<8x1x64xf32, #tpu.memory_space<vmem>> -> memref<1x1x64xf32, #tpu.memory_space<vmem>>
          %dma_start3A_346 = tpu.memref_squeeze %dma_start3A_345 : memref<1x1x64xf32, #tpu.memory_space<vmem>> -> memref<1x64xf32, #tpu.memory_space<vmem>>
          tpu.enqueue_dma source(%dma_start3A_346 : memref<1x64xf32, #tpu.memory_space<vmem>>) target(%dma_start3A_342 : memref<1x64xf32, #tpu.memory_space<hbm>>) target_semaphore(%dma_start3A_340 : memref<!tpu.dma_semaphore, #tpu.memory_space<semaphore_mem>>)
        }
        %sub3A_235 = arith.subi %squeeze3A_220, %squeeze3A_214 : i32
        scf.yield %sub3A_235 : i32
      } else {
        %cond3A_179 = arith.constant 0 : i32
        scf.yield %cond3A_179 : i32
      }
      %add3A_178 = arith.addi %scan3A_170, %cond3A_177 : i32
      scf.yield %add3A_178 : i32
    }
    %scan3A_162 = arith.constant 245 : i32
    %scan3A_163 = arith.constant 0 : i32
    %scan3A_164 = arith.constant 0 : i32
    %scan3A_165 = arith.constant 8 : i32
    %scan3A_166 = arith.addi %scan3A_164, %scan3A_165 : i32
    %scan3A_167 = arith.constant 1 : i32
    scf.for %scan3A_169 = %scan3A_164 to %scan3A_166 step %scan3A_167  : i32 {
      %min3A_170 = arith.constant 8 : i32
      %min3A_171 = arith.minsi %sub3A_95, %min3A_170 : i32
      %lt3A_172 = arith.cmpi slt, %scan3A_169, %min3A_171 : i32
      %convert_element_type3A_173 = arith.extui %lt3A_172 : i1 to i32
      %cond3A_174 = arith.constant 0 : i32
      %cond3A_175 = arith.cmpi ne, %convert_element_type3A_173, %cond3A_174 : i32
      scf.if %cond3A_175 {
        %dma_wait3A = arith.constant 0 : i32
        %dma_wait3A_176 = arith.constant 0 : i32
        %dma_wait3A_177 = tpu.memref_slice %arg16[%scan3A_169, %dma_wait3A, %dma_wait3A_176] : memref<8x1x64xf32, #tpu.memory_space<vmem>> -> memref<1x1x64xf32, #tpu.memory_space<vmem>>
        %dma_wait3A_178 = tpu.memref_squeeze %dma_wait3A_177 : memref<1x1x64xf32, #tpu.memory_space<vmem>> -> memref<1x64xf32, #tpu.memory_space<vmem>>
        %dma_wait3A_179 = arith.constant 0 : i32
        %dma_wait3A_180 = arith.constant 0 : i32
        %dma_wait3A_181 = tpu.memref_slice %arg10[%dma_wait3A_179, %dma_wait3A_180] : memref<49152x64xf32, #tpu.memory_space<hbm>> -> memref<1x64xf32, #tpu.memory_space<hbm>>
        %dma_wait3A_182 = tpu.memref_slice %arg17[%scan3A_169] : memref<8x!tpu.dma_semaphore, #tpu.memory_space<semaphore_mem>> -> memref<1x!tpu.dma_semaphore, #tpu.memory_space<semaphore_mem>>
        %dma_wait3A_183 = tpu.memref_squeeze %dma_wait3A_182 : memref<1x!tpu.dma_semaphore, #tpu.memory_space<semaphore_mem>> -> memref<!tpu.dma_semaphore, #tpu.memory_space<semaphore_mem>>
        %dma_wait3A_184 = arith.constant 0 : i32
        %dma_wait3A_185 = arith.constant 0 : i32
        %dma_wait3A_186 = tpu.memref_slice %arg10[%dma_wait3A_184, %dma_wait3A_185] : memref<49152x64xf32, #tpu.memory_space<hbm>> -> memref<1x64xf32, #tpu.memory_space<hbm>>
        %dma_wait3A_187 = arith.constant 0 : i32
        %dma_wait3A_188 = arith.constant 0 : i32
        %dma_wait3A_189 = tpu.memref_slice %arg16[%scan3A_169, %dma_wait3A_187, %dma_wait3A_188] : memref<8x1x64xf32, #tpu.memory_space<vmem>> -> memref<1x1x64xf32, #tpu.memory_space<vmem>>
        %dma_wait3A_190 = tpu.memref_squeeze %dma_wait3A_189 : memref<1x1x64xf32, #tpu.memory_space<vmem>> -> memref<1x64xf32, #tpu.memory_space<vmem>>
        tpu.wait_dma2 semaphore(%dma_wait3A_183 : memref<!tpu.dma_semaphore, #tpu.memory_space<semaphore_mem>>) src(%dma_wait3A_190 : memref<1x64xf32, #tpu.memory_space<vmem>>) dst(%dma_wait3A_186 : memref<1x64xf32, #tpu.memory_space<hbm>>)
      } else {
      }
    }
    %scan3A_168 = arith.constant 8 : i32
    return
  }
}

</mosaic_0001>

<sc_bundles>
// kernel: _sc_stage1.3.cloned.1.call-start
scs
__scs_entry_jumppad:
0x0: {  	(pc) =	sbr.rel $0x88, $3  }
0x1: {  	(tag) =	ssettag $0x0;
	lr =	simm.s32 $0x1  }
0x2: {  	[smem:$0x3F99] =	sst lr;
	_ =	strace $0xD0000000  }
0x3: {  	_ = 	snop  }
0x4: {  	_ = 	snop  }
0x5: {  	_ = 	snop  }
0x6: {  	_ = 	snop  }
0x7: {  	_ = 	snop  }
__scs_overlays_trampoline_lowered:
0x8: {  	[smem:$0x3FA8] =	sst s0  }
0x9: {  	[smem:$0x3FA9] =	sst s1  }
0xa: {  	[smem:$0x3FAA] =	sst s2  }
0xb: {  	[smem:$0x3FAB] =	sst s3  }
0xc: {  	[smem:$0x3FAC] =	sst s4  }
0xd: {  	[smem:$0x3FAD] =	sst s5  }
0xe: {  	[smem:$0x3FAE] =	sst s6  }
0xf: {  	[smem:$0x3FAF] =	sst s7  }
0x10: {  	[smem:$0x3FB0] =	sst s8  }
0x11: {  	[smem:$0x3FB1] =	sst s9;
	s0 =	simm.s32 @!p0 $0x0  }
0x12: {  	s1 =	sld [smem:$0x3F97];
	s0 =	simm.s32 @p0 $0x1  }
0x13: {  	[smem:$0x3FB2] =	sst s0;
	s0 =	simm.s32 @!p1 $0x0  }
0x14: {  	s2 =	sld [smem:$0x3F96];
	s0 =	simm.s32 @p1 $0x1  }
0x15: {  	[smem:$0x3FB3] =	sst s0;
	s0 =	simm.s32 @!p2 $0x0  }
0x16: {  	s3 =	sld [smem:$0x3FDB];
	s0 =	simm.s32 @p2 $0x1  }
0x17: {  	s4 =	simm.s32 $0x1BF5;
	[smem:$0x3FB5] =	sst s0  }
0x18: {  	s0 =	sld [smem:$0x3F98];
	_ =	swait.ge [sflag:s4], $0x0  }
0x19: {  	s7 =	sld [smem:$0x3F99]  }
0x1a: {  	s8 =	sadd.s32 $0xFFFFE003, lr  }
0x1b: {  	s9 =	sadd.s32 $0xFFFFFEF7, lr;
	s5 =	simm.s32 $0xFFFFFFFF;
	p2 =	slt.u32 s8, $0xFFFFF086  }
0x1c: {  	p1 =	slt.u32 s9, $0xF7A;
	s5 =	simm.s32 @!p2 $0x0  }
0x1d: {  	s5 =	simm.s32 @p1 $0x1;
	p0 =	seq.s32 s7, s2  }
0x1e: {  	s7 =	smul.u32 @!p0 $0xF7A, s2;
	p2 =	seq.s32 @!p0 s5, $0x0  }
0x1f: {  	s9 =	smul.u32 $0xF7A, s1;
	s8 =	simm.s32 @!p0 $0x1BF5;
	p2 =	por !p2, p0  }
0x20: {  	[sflag:s8] =	ssyncset.s32 @!p0 $0xFFFFF086;
	s6 =	sadd.s32 @!p0 s3, s7;
	s7 =	simm.s32 @!p0 $0x108  }
0x21: {  	s3 =	sadd.s32 s3, s9;
	s6 =	sadd.s32 @!p0 $0x88, s6;
	s7 =	simm.s32 @p2 $0x1082  }
0x22: {  	[simem:s7], [sflag:s8] =	dma.local @!p0 [hbm:s6], $0xF7A  }
0x23: {  	s9 =	sor.u32 $0xD0000000, s2;
	s6 =	simm.s32 $0x108;
	_ =	swait.ge @!p0 [sflag:s8], $0x0  }
0x24: {  	s3 =	sadd.s32 $0x88, s3;
	s6 =	simm.s32 @!p1 $0x1082;
	[sflag:s4] =	ssyncset.s32 $0xFFFFF086  }
0x25: {  	[simem:s6], [sflag:s4] =	dma.local [hbm:s3], $0xF7A  }
0x26: {  	[smem:$0x3F99] =	sst s1;
	(tag) =	ssettag s2;
	_ =	strace s9  }
0x27: {  	s1 =	sld [smem:$0x3FA9]  }
0x28: {  	s2 =	sld [smem:$0x3FAA]  }
0x29: {  	s4 =	sld [smem:$0x3FAC]  }
0x2a: {  	p0 =	seq.s32 s5, $0x0;
	s5 =	sld [smem:$0x3FAD]  }
0x2b: {  	s6 =	sld [smem:$0x3FAE]  }
0x2c: {  	s7 =	sld [smem:$0x3FAF]  }
0x2d: {  	s3 =	simm.s32 $0x108;
	s8 =	sld [smem:$0x3FB0]  }
0x2e: {  	s3 =	simm.s32 @!p0 $0x1082;
	s9 =	sld [smem:$0x3FB1]  }
0x2f: {  	lr =	sadd.s32 s0, s3;
	s0 =	sld [smem:$0x3FA8]  }
0x30: {  	s3 =	sld [smem:$0x3FAB]  }
0x31: {  	[smem:$0x3FB4] =	sst s10  }
0x32: {  	s10 =	sld [smem:$0x3FB2];
	_ =	sdelay $0x3  }
0x33: {  	p0 =	seq.s32 s10, $0x1;
	s10 =	sld [smem:$0x3FB4];
	_ =	sdelay $0x3  }
0x34: {  	[smem:$0x3FB4] =	sst s10  }
0x35: {  	s10 =	sld [smem:$0x3FB3];
	_ =	sdelay $0x3  }
0x36: {  	p1 =	seq.s32 s10, $0x1;
	s10 =	sld [smem:$0x3FB4];
	_ =	sdelay $0x3  }
0x37: {  	[smem:$0x3FB4] =	sst s10  }
0x38: {  	s10 =	sld [smem:$0x3FB5]  }
0x39: {  	_ = 	snop;
	(pc) =	sbr.ind lr, $3  }
0x3a: {  	_ = 	snop  }
0x3b: {  	_ = 	snop  }
0x3c: {  	p2 =	seq.s32 s10, $0x1;
	s10 =	sld [smem:$0x3FB4]  }
0x3d: {  	_ =	shalt  }
0x3e: {  	_ =	shalt  }
0x3f: {  	_ =	shalt  }
0x40: {  	_ =	shalt  }
0x41: {  	_ =	shalt  }
0x42: {  	_ =	shalt  }
0x43: {  	_ =	shalt  }
0x44: {  	_ =	shalt  }
0x45: {  	_ =	shalt  }
0x46: {  	_ =	shalt  }
0x47: {  	_ =	shalt  }
0x48: {  	_ =	shalt  }
0x49: {  	_ =	shalt  }
0x4a: {  	_ =	shalt  }
0x4b: {  	_ =	shalt  }
0x4c: {  	_ =	shalt  }
0x4d: {  	_ =	shalt  }
0x4e: {  	_ =	shalt  }
0x4f: {  	_ =	shalt  }
0x50: {  	_ =	shalt  }
0x51: {  	_ =	shalt  }
0x52: {  	_ =	shalt  }
0x53: {  	_ =	shalt  }
0x54: {  	_ =	shalt  }
0x55: {  	_ =	shalt  }
0x56: {  	_ =	shalt  }
0x57: {  	_ =	shalt  }
0x58: {  	_ =	shalt  }
0x59: {  	_ =	shalt  }
0x5a: {  	_ =	shalt  }
0x5b: {  	_ =	shalt  }
0x5c: {  	_ =	shalt  }
0x5d: {  	_ =	shalt  }
0x5e: {  	_ =	shalt  }
0x5f: {  	_ =	shalt  }
0x60: {  	_ =	shalt  }
0x61: {  	_ =	shalt  }
0x62: {  	_ =	shalt  }
0x63: {  	_ =	shalt  }
0x64: {  	_ =	shalt  }
0x65: {  	_ =	shalt  }
0x66: {  	_ =	shalt  }
0x67: {  	_ =	shalt  }
0x68: {  	_ =	shalt  }
0x69: {  	_ =	shalt  }
0x6a: {  	_ =	shalt  }
0x6b: {  	_ =	shalt  }
0x6c: {  	_ =	shalt  }
0x6d: {  	_ =	shalt  }
0x6e: {  	_ =	shalt  }
0x6f: {  	_ =	shalt  }
0x70: {  	_ =	shalt  }
0x71: {  	_ =	shalt  }
0x72: {  	_ =	shalt  }
0x73: {  	_ =	shalt  }
0x74: {  	_ =	shalt  }
0x75: {  	_ =	shalt  }
0x76: {  	_ =	shalt  }
0x77: {  	_ =	shalt  }
0x78: {  	_ =	shalt  }
0x79: {  	_ =	shalt  }
0x7a: {  	_ =	shalt  }
0x7b: {  	_ =	shalt  }
0x7c: {  	_ =	shalt  }
0x7d: {  	_ =	shalt  }
0x7e: {  	_ =	shalt  }
0x7f: {  	_ =	shalt  }
0x80: {  	_ =	shalt  }
0x81: {  	_ =	shalt  }
0x82: {  	_ =	shalt  }
0x83: {  	_ =	shalt  }
0x84: {  	_ =	shalt  }
0x85: {  	_ =	shalt  }
0x86: {  	_ =	shalt  }
0x87: {  	_ =	shalt  }
.Lfunc_end0:
.L_simem_size_0:
called_computation_lowered:
.L_overlay_start_0:
0x88: {  	s2 =	sld [smem:$0x3FD9]  }
0x89: {  	s3 =	sld [smem:$0x3FFE];
	_ =	sdelay $0x1  }
0x8a: {  	s1 =	srdreg.scid  }
0x8b: {  	s0 =	sand.u32 $0x1, s1  }
0x8c: {  	s17 =	sshll.u32 s0, $0xA;
	s2 =	sadd.s32 s3, s2  }
0x8d: {  	s2 =	sadd.s32 s2, s17  }
0x8e: {  	[smem:$0x3FC0] =	sst s2  }
0x8f: {  	_ = 	snop  }
0x90: {  	s2 =	sld [smem:$0x3FC9]  }
0x91: {  	s18 =	sld [smem:$0x3FC8]  }
0x92: {  	s4 =	sld [smem:$0x3FC7]  }
0x93: {  	s5 =	sld [smem:$0x3FC6]  }
0x94: {  	s6 =	sld [smem:$0x3FC5]  }
0x95: {  	s7 =	sld [smem:$0x3FC4]  }
0x96: {  	s8 =	sld [smem:$0x3FC3]  }
0x97: {  	s9 =	sld [smem:$0x3FC2];
	(tm) =	ssettm $0x1  }
0x98: {  	s10 =	sld [smem:$0x3FFB];
	_ =	sdelay $0x3  }
0x99: {  	_ =	strace s10  }
0x9a: {  	s10 =	sld [smem:$0x3FFC];
	_ =	sdelay $0x3  }
0x9b: {  	_ =	strace s10  }
0x9c: {  	s10 =	sld [smem:$0x3FFD];
	_ =	sdelay $0x3  }
0x9d: {  	_ =	strace s10  }
0x9e: {  	_ =	strace $0x8FFFFFFF  }
0x9f: {  	s19 =	sld [smem:$0x3FDB];
	_ =	sdelay $0x1  }
0xa0: {  	s11 =	simm.s32 $_scs_section_size  }
0xa1: {  	s12 =	simm.s32 $_size__tile_overlayer_lowered;
	s13 =	simm.s32 $_tile_overlayer_lowered  }
0xa2: {  	s22 =	simm.s32 $0x1BFF;
	s21 =	sshll.u32 s13, $0x1;
	s10 =	sadd.s32 s11, s19  }
0xa3: {  	s14 =	simm.s32 $0x0;
	s20 =	sshll.u32 s12, $0x1;
	s12 =	sadd.s32 s21, s10  }
0xa4: {  	[timem:s14], [sflag:s22] =	dma.local [hbm:s12], s20  }
0xa5: {  	_ =	swait.ge [sflag:s22], s20  }
0xa6: {  	s11 =	ssub.s32 $0x0, s20;
	[sflag:s22] =	ssyncset.done $0x0  }
0xa7: {  	[sflag:s22] =	ssyncadd.s32 s11;
	_ =	sdelay $0x1  }
0xa8: {  	s23 =	simm.s32 $0x1B8B  }
0xa9: {  	_ =	swait.ge [sflag:s23], $0x1  }
0xaa: {  	[sflag:s23] =	ssyncset.done $0x0  }
0xab: {  	s25 =	simm.s32 $0x1B8E;
	s24 =	sld [smem:$0x3FFE];
	[sflag:s23] =	ssyncadd.s32 $0xFFFFFFFF  }
0xac: {  	s26 =	simm.s32 $execute0_lowered;
	[smem:$0x3FD2] =	sst s25  }
0xad: {  	s12 =	sshll.u32 s26, $0x1;
	_ =	strace $0x80000046;
	[dreg:$0x1] =	wrdreg $0xFFFFFFFF  }
0xae: {  	s28 =	simm.s32 $_size_execute0_lowered;
	s10 =	sadd.s32 s10, s12;
	[dreg:$0x0] =	wrdreg $0x0  }
0xaf: {  	s12 =	sshll.u32 s28, $0x1;
	[dreg:$0x2] =	wrdreg s10  }
0xb0: {  	[dreg:$0x3] =	wrdreg s12  }
0xb1: {  	[dreg:$0x4] =	wrdreg $0xC0  }
0xb2: {  	_ =	task [dreg:s14], $0x5FFFF  }
0xb3: {  	[dreg:$0x1] =	wrdreg $0xFFFFFFFF  }
0xb4: {  	[dreg:$0x0] =	wrdreg $0x60  }
0xb5: {  	[dreg:$0x2] =	wrdreg s2  }
0xb6: {  	[dreg:$0x3] =	wrdreg s18  }
0xb7: {  	[dreg:$0x4] =	wrdreg s4  }
0xb8: {  	[dreg:$0x5] =	wrdreg s5  }
0xb9: {  	[dreg:$0x6] =	wrdreg s6  }
0xba: {  	[dreg:$0x7] =	wrdreg s7  }
0xbb: {  	[dreg:$0x8] =	wrdreg s8  }
0xbc: {  	[dreg:$0x9] =	wrdreg s9  }
0xbd: {  	[dreg:$0xa] =	wrdreg s24  }
0xbe: {  	[dreg:$0xb] =	wrdreg $0x9  }
0xbf: {  	_ =	task.clear_ibuf [dreg:s14], $0xCFFFF;
	_ =	strace $0x90000046  }
0xc0: {  	s29 =	simm.s32 $0x9;
	_ =	strace $0x80000048  }
0xc1: {  	_ =	swait.ge [sflag:s29], $0x1  }
0xc2: {  	[sflag:s29] =	ssyncadd.s32 $0xFFFFFFFF  }
0xc3: {  	_ =	strace $0x90000048  }
0xc4: {  	_ =	sfence  }
0xc5: {  	s30 =	sld [smem:$0x0];
	_ =	sdelay $0x2  }
0xc6: {  	s31 =	sshll.u32 s1, $0xD;
	s1 =	sshrl.u32 s1, $0x2  }
0xc7: {  	s3 =	sand.u32 $0x4000, s31;
	s1 =	sadd.s32 s1, s30  }
0xc8: {  	s0 =	sor.u32 s3, s0;
	s1 =	sshll.u32 s1, $0x11  }
0xc9: {  	s0 =	sor.u32 s1, s0  }
0xca: {  	s0 =	sadd.s32 $0x8F2B, s0  }
0xcb: {  	[sflag:s0] =	ssyncadd.remote.s32 $0x1  }
0xcc: {  	_ =	sfence.sel $0xFFFF  }
0xcd: {  	[dreg:$0x0] =	wrdreg $0xFFFFFFFF;
	(pc) =	sbr.abs _section_cstart, $3  }
0xce: {  	[dreg:$0x1] =	wrdreg $0xFFFFFFFF  }
0xcf: {  	_ =	task.clear_ibuf [dreg:s14], $0x2FFFF;
	_ =	strace $0x9FFFFFFF  }
0xd0: {  	(tm) =	ssettm $0x7FFFFFFF  }
0xd1: {  	_ =	shalt  }
tec
execute0_lowered:
.L_overlay_start_1:
0x0: {  	(tag) =	ssettag $0x1  }
0x1: {  	s7 =	rddreg [dreg:$0x6]  }
0x2: {  	s9 =	rddreg [dreg:$0x7];
	s0 =	srdreg.scid  }
0x3: {  	s2 =	stileid.u32;
	s1 =	rddreg [dreg:$0x8]  }
0x4: {  	s10 =	simm.s32 $0x0;
	s29 =	simm.s32 $0x8080;
	s30 =	simm.s32 $0x3  }
0x5: {  	s31 =	simm.s32 $0x0;
	s0 =	sand.u32 $0x1, s0;
	s2 =	sshll.u32 s2, $0x1  }
0x6: {  	[smem:$0x7FF] =	sst s10;
	s2 =	sor.u32 s0, s2;
	s0 =	ssub.s32 $0x2, s0  }
0x7: {  	s12 =	sadd.s32 $0x400, s1;
	s11 =	smul.u32 $0xF5, s2;
	s3 =	sshrl.u32 s0, $0x1  }
0x8: {  	_ =	strace $0x80000047;
	s23 =	smul.u32 $0x7A80, s2;
	s0 =	ssub.s32 s0, s3  }
0x9: {  	s22 =	smin.u32 s11, $0x1D90;
	s14 =	sadd.s32 $0x1, s11;
	s16 =	sadd.s32 $0x2, s11  }
0xa: {  	s25 =	sadd.s32 s7, s23;
	s1 =	sadd.s32 s9, s23;
	s13 =	sadd.s32 $0xF5, s22  }
0xb: {  	s24 =	sshll.u32 s14, $0x7;
	[dreg:$0xa] =	wrdreg s25;
	s15 =	ssub.s32 s13, s11  }
0xc: {  	s28 =	sshll.u32 s16, $0x7;
	s26 =	sadd.s32 s7, s24;
	p2 =	slt.s32 s15, $0x1  }
0xd: {  	s22 =	sadd.s32 s9, s24;
	s24 =	smax.u32 s0, $0x1;
	s0 =	simm.s32 @!p2 $0x0  }
0xe: {  	[dreg:$0xd] =	wrdreg s1;
	p5 =	slt.s32 s15, $0x2;
	s0 =	simm.s32 @p2 $0x1  }
.Ltmp0:
0xf: {  	v0 =	vlaneseq.u32;
	[smem:$0x7FB] =	sst s0;
	s0 =	simm.s32 @!p5 $0x0;
	(pc) =	sbr.rel .LBB2_1-.Ltmp0, $4  }
0x10: {  	v0 =	vmul.u32 $0x80, v0;
	[dreg:$0xb] =	wrdreg s26;
	p6 =	slt.s32 s15, $0x3;
	s0 =	simm.s32 @p5 $0x1  }
0x11: {  	s4 =	sadd.s32 s7, s28;
	[smem:$0x7FC] =	sst s0;
	s0 =	simm.s32 @!p6 $0x0  }
0x12: {  	v1 =	vor.u32 $0x800, v0;
	s19 =	sadd.s32 $0x3, s11;
	[dreg:$0xc] =	wrdreg s4;
	s0 =	simm.s32 @p6 $0x1  }
0x13: {  	v2 =	vor.u32 $0x1000, v0;
	v3 =	vor.u32 $0x1800, v0;
	v4 =	vmov s11;
	s23 =	sadd.s32 s9, s28;
	s26 =	simm.s32 $0xD;
	[smem:$0x7FD] =	sst s0  }
.LBB2_19:
0x14: {  	s31 =	sadd.s32 $0x1, s31  }
0x15: {  	p0 =	sne.s32 s31, s24  }
.Ltmp1:
0x16: {  	_ = 	snop;
	(pc) =	sbr.rel @!p0 .LBB2_20-.Ltmp1, $1  }
0x17: {  	_ =	sdelay $0x3  }
.LBB2_1:
0x18: {  	s0 =	rddreg [dreg:$0x2];
	s1 =	simm.s32 $0x10100  }
0x19: {  	[tilespmem:s1], [sflag:$0xD] =	stream.linear.gather [hbm4b:s0+s10], $0x1F00, $0x38;
	[tilespmem:$0x1C300] =	vst v63  }
0x1a: {  	_ =	swait.ge [sflag:s26], $0x1F00  }
0x1b: {  	[sflag:s26] =	ssyncset.done $0x0  }
0x1c: {  	[sflag:s26] =	ssyncadd.s32 $0xFFFFE100  }
0x1d: {  	s20 =	simm.s32 $0x12000;
	s18 =	rddreg [dreg:$0x5]  }
0x1e: {  	[tilespmem:s20], [sflag:$0xD] =	stream.linear.gather [hbm4b:s18+s10], $0x1F00, $0x38;
	[tilespmem:$0x1C300] =	vst v63  }
0x1f: {  	_ =	swait.ge [sflag:s26], $0x1F00  }
0x20: {  	[sflag:s26] =	ssyncset.done $0x0  }
0x21: {  	[sflag:s26] =	ssyncadd.s32 $0xFFFFE100  }
0x22: {  	s21 =	rddreg [dreg:$0x0]  }
0x23: {  	[tilespmem:s10], [sflag:$0xD] =	stream.linear.gather [hbm4b:s21+s10], $0x4010, $0x38;
	[tilespmem:$0x1C300] =	vst v63  }
0x24: {  	_ =	swait.ge [sflag:s26], $0x4010  }
0x25: {  	[sflag:s26] =	ssyncset.done $0x0  }
0x26: {  	[sflag:s26] =	ssyncadd.s32 $0xFFFFBFF0  }
0x27: {  	s25 =	rddreg [dreg:$0x1]  }
0x28: {  	[tilespmem:s29], [sflag:$0xD] =	stream.linear.gather [hbm4b:s25+s10], $0x4010, $0x38;
	[tilespmem:$0x1C300] =	vst v63  }
0x29: {  	_ =	swait.ge [sflag:s26], $0x4010  }
0x2a: {  	[sflag:s26] =	ssyncset.done $0x0  }
0x2b: {  	[sflag:s26] =	ssyncadd.s32 $0xFFFFBFF0  }
0x2c: {  	v5 =	vld [tilespmem:s13+$0x10100]  }
0x2d: {  	v6 =	vld [tilespmem:s11+$0x10100]  }
0x2e: {  	v7 =	vld [tilespmem:s14+$0x10100];
	_ =	sdelay $0x2  }
0x2f: {  	(v2sf) =	vpush v5, $0x0  }
0x30: {  	(v2sf) =	vpush v6, $0x0  }
0x31: {  	(v2sf) =	vpush v7, $0x0;
	_ =	sdelay $0xc  }
0x32: {  	s28 =	spop (v2sf)  }
0x33: {  	s1 =	spop (v2sf)  }
0x34: {  	s2 =	spop (v2sf)  }
0x35: {  	p0 =	sle.s32 @!p2 s2, s1  }
0x36: {  	s5 =	rddreg [dreg:$0xa];
	p0 =	por p0, p2  }
0x37: {  	s2 =	simm.s32 @!p0 $0x400;
	s3 =	simm.s32 @!p0 $0x7A1400;
	s4 =	simm.s32 @!p0 $0x13F00  }
0x38: {  	[tilespmem:s4], [sflag:$0x9] =	stream.strided.gather @!p0 [hbm4b:s5+s2], $0x2000, s3, s2, $0x38;
	[tilespmem:$0x1C300] =	vst v63  }
0x39: {  	v5 =	vld [tilespmem:s16+$0x10100]  }
0x3a: {  	v6 =	vld [tilespmem:s14+$0x10100];
	_ =	sdelay $0x3  }
0x3b: {  	(v2sf) =	vpush v5, $0x0  }
0x3c: {  	(v2sf) =	vpush v6, $0x0;
	_ =	sdelay $0xd  }
0x3d: {  	s2 =	spop (v2sf)  }
0x3e: {  	s3 =	spop (v2sf)  }
0x3f: {  	p0 =	sle.s32 @!p5 s2, s3  }
0x40: {  	s5 =	rddreg [dreg:$0xb];
	p0 =	por p0, p5  }
0x41: {  	s2 =	simm.s32 @!p0 $0x400;
	s3 =	simm.s32 @!p0 $0x7A1400;
	s4 =	simm.s32 @!p0 $0x15F00  }
0x42: {  	[tilespmem:s4], [sflag:$0xA] =	stream.strided.gather @!p0 [hbm4b:s5+s2], $0x2000, s3, s2, $0x38;
	[tilespmem:$0x1C300] =	vst v63  }
0x43: {  	v5 =	vld [tilespmem:s19+$0x10100]  }
0x44: {  	v6 =	vld [tilespmem:s16+$0x10100];
	_ =	sdelay $0x3  }
0x45: {  	(v2sf) =	vpush v5, $0x0  }
0x46: {  	(v2sf) =	vpush v6, $0x0;
	_ =	sdelay $0xd  }
0x47: {  	s2 =	spop (v2sf)  }
0x48: {  	s3 =	spop (v2sf)  }
.Ltmp2:
0x49: {  	p0 =	sle.s32 @!p6 s2, s3;
	(pc) =	sbr.rel .LBB2_2-.Ltmp2, $4  }
0x4a: {  	s5 =	rddreg [dreg:$0xc];
	p0 =	por p0, p6  }
0x4b: {  	s2 =	simm.s32 @!p0 $0x400;
	s3 =	simm.s32 @!p0 $0x7A1400;
	s4 =	simm.s32 @!p0 $0x17F00  }
0x4c: {  	[tilespmem:s4], [sflag:$0xB] =	stream.strided.gather @!p0 [hbm4b:s5+s2], $0x2000, s3, s2, $0x38;
	[tilespmem:$0x1C300] =	vst v63  }
0x4d: {  	s0 =	simm.s32 $0x0;
	s8 =	ssub.s32 s28, s1;
	s5 =	simm.s32 $0x0  }
.LBB2_3:
0x4e: {  	s1 =	simm.s32 @p3 $0x0  }
.LBB2_7:
0x4f: {  	s5 =	sadd.s32 $0x1, s5  }
0x50: {  	p0 =	sne.s32 s5, $0xF5  }
.Ltmp3:
0x51: {  	_ = 	snop;
	(pc) =	sbr.rel @!p0 .LBB2_8-.Ltmp3, $2  }
0x52: {  	_ =	sdelay $0x2  }
0x53: {  	s0 =	sadd.s32 s0, s1  }
.LBB2_2:
0x54: {  	_ = 	snop  }
0x55: {  	s1 =	sadd.s32 s11, s5  }
0x56: {  	p3 =	sgt.u32 s1, $0x1E84  }
0x57: {  	s1 =	sadd.s32 @!p3 $0x3, s5  }
0x58: {  	v5 =	vld.idx.msk @!p3 [tilespmem:v4+s1+$0x10101 ss:$0x1], $0xffff  }
0x59: {  	v6 =	vld.idx.msk @!p3 [tilespmem:v4+s1+$0x10100 ss:$0x1], $0xffff;
	_ =	sdelay $0x3  }
0x5a: {  	(v2sf) =	vpush @!p3 v5, $0x0  }
0x5b: {  	(v2sf) =	vpush @!p3 v6, $0x0;
	_ =	sdelay $0xd  }
0x5c: {  	p0 =	sge.s32 @!p3 s1, s15;
	s2 =	spop @!p3 (v2sf)  }
0x5d: {  	p4 =	por p0, p3;
	s3 =	spop @!p3 (v2sf)  }
0x5e: {  	p4 =	sle.s32 @!p4 s2, s3  }
0x5f: {  	p0 =	por @!p3 p4, p0  }
0x60: {  	p0 =	por p0, p3  }
0x61: {  	s2 =	sand.u32 @!p0 $0x3, s1;
	s1 =	sadd.s32 @!p3 s11, s1;
	s4 =	simm.s32 @!p0 $0x400  }
0x62: {  	s6 =	simm.s32 @!p0 $0x7A1400;
	s3 =	sshll.u32 @!p0 s2, $0xD;
	s1 =	sshll.u32 @!p0 s1, $0x7  }
0x63: {  	s2 =	sadd.s32 @!p0 $0x9, s2;
	s3 =	sadd.s32 @!p0 $0x13F00, s3;
	s1 =	sadd.s32 @!p0 s7, s1  }
0x64: {  	[tilespmem:s3], [sflag:s2] =	stream.strided.gather @!p0 [hbm4b:s1+s4], $0x2000, s6, s4, $0x38;
	[tilespmem:$0x1C300] =	vst v63  }
0x65: {  	v5 =	vld.idx.msk @!p3 [tilespmem:v4+s5+$0x10100 ss:$0x1], $0xffff  }
0x66: {  	v6 =	vld.idx.msk @!p3 [tilespmem:v4+s5+$0x10101 ss:$0x1], $0xffff;
	_ =	sdelay $0x3  }
0x67: {  	(v2sf) =	vpush @!p3 v5, $0x0  }
0x68: {  	(v2sf) =	vpush @!p3 v6, $0x0;
	_ =	sdelay $0xd  }
0x69: {  	s3 =	spop @!p3 (v2sf)  }
0x6a: {  	s1 =	spop @!p3 (v2sf)  }
0x6b: {  	p0 =	sle.s32 @!p3 s1, s3;
	s1 =	ssub.s32 @!p3 s1, s3  }
0x6c: {  	p4 =	slt.s32 @!p3 s1, $0x1  }
0x6d: {  	p4 =	por p3, p4  }
.Ltmp4:
0x6e: {  	s2 =	sand.u32 @!p3 $0x3, s5;
	p0 =	por p0, p3;
	(pc) =	sbr.rel @p4 .LBB2_3-.Ltmp4, $4  }
0x6f: {  	s4 =	sadd.s32 @!p0 $0x9, s2  }
0x70: {  	_ =	swait.ge @!p0 [sflag:s4], $0x2000  }
0x71: {  	[sflag:s4] =	ssyncset.done @!p0 $0x0  }
0x72: {  	[sflag:s4] =	ssyncadd.s32 @!p0 $0xFFFFE000  }
0x73: {  	s3 =	sshll.u32 s3, $0x2  }
0x74: {  	s17 =	sshra.s32 s3, $0x2  }
0x75: {  	v5 =	vld [tilespmem:s17+$0x0];
	_ =	sdelay $0x4  }
0x76: {  	(v2sf) =	vpush v5, $0x0;
	_ =	sdelay $0xe  }
0x77: {  	s25 =	spop (v2sf)  }
0x78: {  	s3 =	sand.u32 $0x7F, s25  }
0x79: {  	v5 =	vmov s3  }
0x7a: {  	s18 =	sand.u32 $0x7, s0;
	p0 =	slt.s32 s0, $0x8;
	v6 =	vor.u32 v0, v5  }
0x7b: {  	s4 =	sadd.s32 $0x8080, s17;
	s3 =	sadd.s32 @!p0 $0x1, s18  }
0x7c: {  	v7 =	vld [tilespmem:s4+$0x0];
	_ =	swait.ge @!p0 [sflag:s3], $0x80  }
0x7d: {  	s2 =	sshll.u32 s2, $0xD;
	[sflag:s3] =	ssyncset.done @!p0 $0x0  }
0x7e: {  	s2 =	sadd.s32 $0x13F00, s2;
	[sflag:s3] =	ssyncadd.s32 @!p0 $0xFFFFFF80  }
0x7f: {  	v6 =	vld.idx.msk [tilespmem:v6+s2+$0x0], $0xffff  }
0x80: {  	v8 =	vor.u32 v1, v5;
	_ =	sdelay $0x2  }
0x81: {  	s20 =	sshll.u32 s18, $0x7  }
0x82: {  	(v2sf) =	vpush v7, $0x0;
	[tilespmem:s20+$0x1BF00] =	vst v6  }
0x83: {  	v6 =	vld.idx.msk [tilespmem:v8+s2+$0x0], $0xffff  }
0x84: {  	v7 =	vor.u32 v2, v5;
	_ =	sdelay $0x3  }
0x85: {  	[tilespmem:s20+$0x1BF10] =	vst v6  }
0x86: {  	v6 =	vld.idx.msk [tilespmem:v7+s2+$0x0], $0xffff  }
0x87: {  	v5 =	vor.u32 v3, v5;
	_ =	sdelay $0x3  }
0x88: {  	s3 =	sadd.s32 $0xFFFFFFFF, s1;
	[tilespmem:s20+$0x1BF20] =	vst v6  }
0x89: {  	p0 =	sne.s32 s3, $0x0;
	v5 =	vld.idx.msk [tilespmem:v5+s2+$0x0], $0xffff  }
.Ltmp5:
0x8a: {  	_ = 	snop;
	(pc) =	sbr.rel @!p0 .LBB2_6-.Ltmp5, $4  }
0x8b: {  	s6 =	spop (v2sf)  }
0x8c: {  	s28 =	sadd.s32 $0x1BF00, s20;
	s6 =	sshll.u32 s6, $0x4  }
0x8d: {  	s4 =	sadd.s32 $0x1, s4;
	s25 =	sadd.s32 $0x1, s17;
	s21 =	sand.u32 $0x1FFFFFF0, s6  }
0x8e: {  	s17 =	sadd.s32 $0x1, s18;
	s6 =	sadd.s32 $0x1, s0;
	s18 =	sadd.s32 s12, s21;
	[tilespmem:s20+$0x1BF30] =	vst v5  }
.LBB2_5:
0x8f: {  	[hbm4b:s18+s10] =	stream.linear.scatter [tilespmem:s28], [sflag:s17], $0x80, $0x38;
	[tilespmem:$0x1C300] =	vst v63  }
0x90: {  	s3 =	sadd.s32 $0xFFFFFFFF, s3;
	v5 =	vld [tilespmem:s25+$0x0]  }
0x91: {  	p3 =	sne.s32 s3, $0x0;
	_ =	sdelay $0x3  }
0x92: {  	(v2sf) =	vpush v5, $0x0;
	_ =	sdelay $0xe  }
0x93: {  	s17 =	spop (v2sf)  }
0x94: {  	s17 =	sand.u32 $0x7F, s17  }
0x95: {  	v5 =	vmov s17  }
0x96: {  	p0 =	slt.s32 s6, $0x8;
	s17 =	sand.u32 $0x7, s6;
	v6 =	vor.u32 v0, v5  }
0x97: {  	s18 =	sadd.s32 @!p0 $0x1, s17;
	v7 =	vld [tilespmem:s4+$0x0]  }
0x98: {  	_ =	swait.ge @!p0 [sflag:s18], $0x80  }
0x99: {  	[sflag:s18] =	ssyncset.done @!p0 $0x0  }
0x9a: {  	[sflag:s18] =	ssyncadd.s32 @!p0 $0xFFFFFF80  }
0x9b: {  	v6 =	vld.idx.msk [tilespmem:v6+s2+$0x0], $0xffff  }
0x9c: {  	(v2sf) =	vpush v7, $0x0  }
0x9d: {  	v7 =	vor.u32 v1, v5;
	_ =	sdelay $0x2  }
0x9e: {  	s18 =	sshll.u32 s17, $0x7  }
0x9f: {  	[tilespmem:s18+$0x1BF00] =	vst v6  }
0xa0: {  	v6 =	vld.idx.msk [tilespmem:v7+s2+$0x0], $0xffff;
	_ =	sdelay $0x1  }
0xa1: {  	v7 =	vor.u32 v2, v5;
	_ =	sdelay $0x3  }
0xa2: {  	[tilespmem:s18+$0x1BF10] =	vst v6  }
0xa3: {  	v6 =	vld.idx.msk [tilespmem:v7+s2+$0x0], $0xffff;
	_ =	sdelay $0x1  }
0xa4: {  	v5 =	vor.u32 v3, v5;
	s20 =	spop (v2sf)  }
0xa5: {  	s20 =	sshll.u32 s20, $0x4;
	_ =	sdelay $0x2  }
0xa6: {  	[tilespmem:s18+$0x1BF20] =	vst v6  }
0xa7: {  	v5 =	vld.idx.msk [tilespmem:v5+s2+$0x0], $0xffff;
	_ =	sdelay $0x1  }
.Ltmp6:
0xa8: {  	(pc) =	sbr.rel @p3 .LBB2_5-.Ltmp6, $4  }
0xa9: {  	_ = 	snop  }
0xaa: {  	s4 =	sadd.s32 $0x1, s4  }
0xab: {  	s25 =	sadd.s32 $0x1, s25;
	s6 =	sadd.s32 $0x1, s6;
	s20 =	sand.u32 $0x1FFFFFF0, s20  }
0xac: {  	s17 =	sadd.s32 $0x1, s17;
	s28 =	sadd.s32 $0x1BF00, s18;
	[tilespmem:s18+$0x1BF30] =	vst v5;
	s18 =	sadd.s32 s12, s20  }
.LBB2_6:
.Ltmp7:
0xad: {  	(pc) =	sbr.rel .LBB2_7-.Ltmp7, $2  }
0xae: {  	_ =	sdelay $0x2  }
0xaf: {  	[hbm4b:s18+s10] =	stream.linear.scatter [tilespmem:s28], [sflag:s17], $0x80, $0x38;
	[tilespmem:$0x1C300] =	vst v63  }
.LBB2_8:
0xb0: {  	p0 =	slt.s32 s8, $0x1  }
0xb1: {  	s0 =	simm.s32 @!p0 $0x1  }
0xb2: {  	p3 =	seq.s32 @!p0 s8, $0x1;
	_ =	swait.ge @!p0 [sflag:s0], $0x80  }
0xb3: {  	p3 =	por p0, p3;
	[sflag:s0] =	ssyncset.done @!p0 $0x0  }
0xb4: {  	[sflag:s0] =	ssyncadd.s32 @!p0 $0xFFFFFF80;
	p0 =	slt.u32 @!p3 s8, $0x3  }
0xb5: {  	p0 =	por p3, p0  }
.Ltmp8:
0xb6: {  	_ = 	snop;
	(pc) =	sbr.rel @p0 .LBB2_10-.Ltmp8, $4  }
0xb7: {  	s0 =	simm.s32 @!p3 $0x2  }
0xb8: {  	_ =	swait.ge @!p3 [sflag:s0], $0x80  }
0xb9: {  	[sflag:s0] =	ssyncset.done @!p3 $0x0  }
0xba: {  	[sflag:s0] =	ssyncadd.s32 @!p3 $0xFFFFFF80  }
0xbb: {  	p3 =	seq.s32 s8, $0x3  }
0xbc: {  	p4 =	slt.u32 @!p3 s8, $0x5  }
0xbd: {  	p5 =	por p4, p3  }
0xbe: {  	_ =	swait.ge [sflag:s30], $0x80;
	p2 =	seq.s32 @!p5 s8, $0x5  }
0xbf: {  	[sflag:s30] =	ssyncset.done $0x0;
	s1 =	simm.s32 @!p2 $0x0;
	p0 =	por @!p3 p2, p4  }
0xc0: {  	s0 =	simm.s32 @!p3 $0x4;
	s1 =	simm.s32 @p2 $0x1;
	p0 =	por p0, p3  }
0xc1: {  	[sflag:s30] =	ssyncadd.s32 $0xFFFFFF80;
	[smem:$0x7FA] =	sst s1;
	p1 =	slt.u32 @!p0 s8, $0x7  }
0xc2: {  	_ =	swait.ge @!p3 [sflag:s0], $0x80;
	s1 =	simm.s32 @!p1 $0x0  }
0xc3: {  	[sflag:s0] =	ssyncset.done @!p3 $0x0;
	s1 =	simm.s32 @p1 $0x1  }
0xc4: {  	[sflag:s0] =	ssyncadd.s32 @!p3 $0xFFFFFF80;
	s0 =	simm.s32 @!p5 $0x5;
	[smem:$0x7F9] =	sst s1  }
0xc5: {  	_ =	swait.ge @!p5 [sflag:s0], $0x80  }
0xc6: {  	[sflag:s0] =	ssyncset.done @!p5 $0x0  }
0xc7: {  	[sflag:s0] =	ssyncadd.s32 @!p5 $0xFFFFFF80;
	s0 =	simm.s32 @!p0 $0x6  }
0xc8: {  	_ =	swait.ge @!p0 [sflag:s0], $0x80  }
0xc9: {  	p2 =	por @!p5 p1, p2;
	s18 =	sld [smem:$0x7F9]  }
0xca: {  	p2 =	por @!p3 p2, p4;
	s20 =	sld [smem:$0x7FA]  }
0xcb: {  	p2 =	por p2, p3  }
0xcc: {  	p1 =	seq.s32 @!p2 s8, $0x7;
	[sflag:s0] =	ssyncset.done @!p0 $0x0;
	p6 =	seq.s32 s18, $0x1  }
0xcd: {  	[sflag:s0] =	ssyncadd.s32 @!p0 $0xFFFFFF80;
	p1 =	por @!p0 p1, p6;
	p0 =	seq.s32 s20, $0x1  }
0xce: {  	s21 =	sld [smem:$0x7FD];
	s0 =	simm.s32 @!p2 $0x7;
	p0 =	por @!p5 p1, p0  }
0xcf: {  	s25 =	sld [smem:$0x7FC];
	_ =	swait.ge @!p2 [sflag:s0], $0x80;
	p0 =	por @!p3 p0, p4  }
0xd0: {  	[sflag:s0] =	ssyncset.done @!p2 $0x0;
	p0 =	por p0, p3  }
0xd1: {  	s28 =	sld [smem:$0x7FB];
	[sflag:s0] =	ssyncadd.s32 @!p2 $0xFFFFFF80;
	s0 =	simm.s32 @!p0 $0x8  }
0xd2: {  	_ =	swait.ge @!p0 [sflag:s0], $0x80  }
0xd3: {  	p6 =	seq.s32 s21, $0x1;
	[sflag:s0] =	ssyncset.done @!p0 $0x0  }
0xd4: {  	p5 =	seq.s32 s25, $0x1;
	p2 =	seq.s32 s28, $0x1;
	[sflag:s0] =	ssyncadd.s32 @!p0 $0xFFFFFF80  }
.LBB2_10:
0xd5: {  	s0 =	rddreg [dreg:$0x3]  }
0xd6: {  	[tilespmem:s10], [sflag:$0xD] =	stream.linear.gather [hbm4b:s0+s10], $0x8080, $0x38;
	[tilespmem:$0x1C300] =	vst v63  }
0xd7: {  	_ =	swait.ge [sflag:s26], $0x8080  }
0xd8: {  	[sflag:s26] =	ssyncset.done $0x0  }
0xd9: {  	[sflag:s26] =	ssyncadd.s32 $0xFFFF7F80  }
0xda: {  	s25 =	rddreg [dreg:$0x4]  }
0xdb: {  	[tilespmem:s29], [sflag:$0xD] =	stream.linear.gather [hbm4b:s25+s10], $0x8080, $0x38;
	[tilespmem:$0x1C300] =	vst v63  }
0xdc: {  	_ =	swait.ge [sflag:s26], $0x8080  }
0xdd: {  	[sflag:s26] =	ssyncset.done $0x0  }
0xde: {  	[sflag:s26] =	ssyncadd.s32 $0xFFFF7F80  }
0xdf: {  	v5 =	vld [tilespmem:s13+$0x12000]  }
0xe0: {  	v6 =	vld [tilespmem:s11+$0x12000]  }
0xe1: {  	v7 =	vld [tilespmem:s14+$0x12000];
	_ =	sdelay $0x2  }
0xe2: {  	(v2sf) =	vpush v5, $0x0  }
0xe3: {  	(v2sf) =	vpush v6, $0x0  }
0xe4: {  	(v2sf) =	vpush v7, $0x0;
	_ =	sdelay $0xc  }
0xe5: {  	s28 =	spop (v2sf)  }
0xe6: {  	s1 =	spop (v2sf)  }
0xe7: {  	s2 =	spop (v2sf)  }
0xe8: {  	p0 =	sle.s32 @!p2 s2, s1  }
0xe9: {  	s5 =	rddreg [dreg:$0xd];
	p0 =	por p0, p2  }
0xea: {  	s2 =	simm.s32 @!p0 $0x400;
	s3 =	simm.s32 @!p0 $0x7A1400;
	s4 =	simm.s32 @!p0 $0x13F00  }
0xeb: {  	[tilespmem:s4], [sflag:$0x9] =	stream.strided.gather @!p0 [hbm4b:s5+s2], $0x2000, s3, s2, $0x38;
	[tilespmem:$0x1C300] =	vst v63  }
0xec: {  	v5 =	vld [tilespmem:s16+$0x12000]  }
0xed: {  	v6 =	vld [tilespmem:s14+$0x12000];
	_ =	sdelay $0x3  }
0xee: {  	(v2sf) =	vpush v5, $0x0  }
0xef: {  	(v2sf) =	vpush v6, $0x0;
	_ =	sdelay $0xd  }
0xf0: {  	s2 =	spop (v2sf)  }
0xf1: {  	s3 =	spop (v2sf)  }
0xf2: {  	p0 =	sle.s32 @!p5 s2, s3  }
0xf3: {  	p0 =	por p0, p5  }
0xf4: {  	s2 =	simm.s32 @!p0 $0x400;
	s3 =	simm.s32 @!p0 $0x7A1400;
	s4 =	simm.s32 @!p0 $0x15F00  }
0xf5: {  	[tilespmem:s4], [sflag:$0xA] =	stream.strided.gather @!p0 [hbm4b:s22+s2], $0x2000, s3, s2, $0x38;
	[tilespmem:$0x1C300] =	vst v63  }
0xf6: {  	v5 =	vld [tilespmem:s19+$0x12000]  }
0xf7: {  	v6 =	vld [tilespmem:s16+$0x12000];
	_ =	sdelay $0x3  }
0xf8: {  	(v2sf) =	vpush v5, $0x0  }
0xf9: {  	(v2sf) =	vpush v6, $0x0;
	_ =	sdelay $0xd  }
0xfa: {  	s2 =	spop (v2sf)  }
.Ltmp9:
0xfb: {  	s3 =	spop (v2sf);
	(pc) =	sbr.rel .LBB2_11-.Ltmp9, $4  }
0xfc: {  	s0 =	simm.s32 $0x0;
	p0 =	sle.s32 @!p6 s2, s3  }
0xfd: {  	s8 =	ssub.s32 s28, s1;
	s5 =	simm.s32 $0x0;
	p0 =	por p0, p6  }
0xfe: {  	s2 =	simm.s32 @!p0 $0x400;
	s3 =	simm.s32 @!p0 $0x7A1400;
	s4 =	simm.s32 @!p0 $0x17F00  }
0xff: {  	[tilespmem:s4], [sflag:$0xB] =	stream.strided.gather @!p0 [hbm4b:s23+s2], $0x2000, s3, s2, $0x38;
	[tilespmem:$0x1C300] =	vst v63  }
.LBB2_12:
0x100: {  	s1 =	simm.s32 @p3 $0x0  }
.LBB2_16:
0x101: {  	s0 =	sadd.s32 $0x1, s0  }
0x102: {  	p0 =	sne.s32 s0, $0xF5  }
.Ltmp10:
0x103: {  	_ = 	snop;
	(pc) =	sbr.rel @!p0 .LBB2_17-.Ltmp10, $2  }
0x104: {  	_ =	sdelay $0x2  }
0x105: {  	s5 =	sadd.s32 s5, s1  }
.LBB2_11:
0x106: {  	_ = 	snop  }
0x107: {  	s1 =	sadd.s32 s11, s0  }
0x108: {  	p3 =	sgt.u32 s1, $0x1E84  }
0x109: {  	s1 =	sadd.s32 @!p3 $0x3, s0  }
0x10a: {  	v5 =	vld.idx.msk @!p3 [tilespmem:v4+s1+$0x12001 ss:$0x1], $0xffff  }
0x10b: {  	v6 =	vld.idx.msk @!p3 [tilespmem:v4+s1+$0x12000 ss:$0x1], $0xffff;
	_ =	sdelay $0x3  }
0x10c: {  	(v2sf) =	vpush @!p3 v5, $0x0  }
0x10d: {  	(v2sf) =	vpush @!p3 v6, $0x0;
	_ =	sdelay $0xd  }
0x10e: {  	p0 =	sge.s32 @!p3 s1, s15;
	s2 =	spop @!p3 (v2sf)  }
0x10f: {  	p1 =	por p0, p3;
	s3 =	spop @!p3 (v2sf)  }
0x110: {  	p1 =	sle.s32 @!p1 s2, s3  }
0x111: {  	p0 =	por @!p3 p1, p0  }
0x112: {  	p0 =	por p0, p3  }
0x113: {  	s2 =	sand.u32 @!p0 $0x3, s1;
	s1 =	sadd.s32 @!p3 s11, s1;
	s4 =	simm.s32 @!p0 $0x400  }
0x114: {  	s6 =	simm.s32 @!p0 $0x7A1400;
	s3 =	sshll.u32 @!p0 s2, $0xD;
	s1 =	sshll.u32 @!p0 s1, $0x7  }
0x115: {  	s2 =	sadd.s32 @!p0 $0x9, s2;
	s3 =	sadd.s32 @!p0 $0x13F00, s3;
	s1 =	sadd.s32 @!p0 s9, s1  }
0x116: {  	[tilespmem:s3], [sflag:s2] =	stream.strided.gather @!p0 [hbm4b:s1+s4], $0x2000, s6, s4, $0x38;
	[tilespmem:$0x1C300] =	vst v63  }
0x117: {  	v5 =	vld.idx.msk @!p3 [tilespmem:v4+s0+$0x12000 ss:$0x1], $0xffff  }
0x118: {  	v6 =	vld.idx.msk @!p3 [tilespmem:v4+s0+$0x12001 ss:$0x1], $0xffff;
	_ =	sdelay $0x3  }
0x119: {  	(v2sf) =	vpush @!p3 v5, $0x0  }
0x11a: {  	(v2sf) =	vpush @!p3 v6, $0x0;
	_ =	sdelay $0xd  }
0x11b: {  	s3 =	spop @!p3 (v2sf)  }
0x11c: {  	s1 =	spop @!p3 (v2sf)  }
0x11d: {  	p0 =	sle.s32 @!p3 s1, s3;
	s1 =	ssub.s32 @!p3 s1, s3  }
0x11e: {  	p1 =	slt.s32 @!p3 s1, $0x1  }
0x11f: {  	p1 =	por p3, p1  }
.Ltmp11:
0x120: {  	s2 =	sand.u32 @!p3 $0x3, s0;
	p0 =	por p0, p3;
	(pc) =	sbr.rel @p1 .LBB2_12-.Ltmp11, $4  }
0x121: {  	s4 =	sadd.s32 @!p0 $0x9, s2  }
0x122: {  	_ =	swait.ge @!p0 [sflag:s4], $0x2000  }
0x123: {  	[sflag:s4] =	ssyncset.done @!p0 $0x0  }
0x124: {  	[sflag:s4] =	ssyncadd.s32 @!p0 $0xFFFFE000  }
0x125: {  	s3 =	sshll.u32 s3, $0x2  }
0x126: {  	s6 =	sshra.s32 s3, $0x2  }
0x127: {  	v5 =	vld [tilespmem:s6+$0x0];
	_ =	sdelay $0x4  }
0x128: {  	(v2sf) =	vpush v5, $0x0;
	_ =	sdelay $0xe  }
0x129: {  	s21 =	spop (v2sf)  }
0x12a: {  	s3 =	sand.u32 $0x7F, s21  }
0x12b: {  	v5 =	vmov s3  }
0x12c: {  	s18 =	sand.u32 $0x7, s5;
	p0 =	slt.s32 s5, $0x8;
	v6 =	vor.u32 v0, v5  }
0x12d: {  	s17 =	sadd.s32 $0x8080, s6;
	s3 =	sadd.s32 @!p0 $0x1, s18  }
0x12e: {  	v7 =	vld [tilespmem:s17+$0x0];
	_ =	swait.ge @!p0 [sflag:s3], $0x80  }
0x12f: {  	s2 =	sshll.u32 s2, $0xD;
	[sflag:s3] =	ssyncset.done @!p0 $0x0  }
0x130: {  	s2 =	sadd.s32 $0x13F00, s2;
	[sflag:s3] =	ssyncadd.s32 @!p0 $0xFFFFFF80  }
0x131: {  	v6 =	vld.idx.msk [tilespmem:v6+s2+$0x0], $0xffff  }
0x132: {  	v8 =	vor.u32 v1, v5;
	_ =	sdelay $0x2  }
0x133: {  	s20 =	sshll.u32 s18, $0x7;
	(v2sf) =	vpush v7, $0x0  }
0x134: {  	[tilespmem:s20+$0x1BF00] =	vst v6  }
0x135: {  	v6 =	vld.idx.msk [tilespmem:v8+s2+$0x0], $0xffff  }
0x136: {  	v7 =	vor.u32 v2, v5;
	_ =	sdelay $0x3  }
0x137: {  	[tilespmem:s20+$0x1BF10] =	vst v6  }
0x138: {  	v6 =	vld.idx.msk [tilespmem:v7+s2+$0x0], $0xffff  }
0x139: {  	v5 =	vor.u32 v3, v5;
	_ =	sdelay $0x3  }
0x13a: {  	s3 =	sadd.s32 $0xFFFFFFFF, s1;
	[tilespmem:s20+$0x1BF20] =	vst v6  }
0x13b: {  	p0 =	sne.s32 s3, $0x0;
	v5 =	vld.idx.msk [tilespmem:v5+s2+$0x0], $0xffff  }
.Ltmp12:
0x13c: {  	s25 =	spop (v2sf);
	(pc) =	sbr.rel @!p0 .LBB2_15-.Ltmp12, $4  }
0x13d: {  	s4 =	sshll.u32 s25, $0x7  }
0x13e: {  	s6 =	sadd.s32 $0x1, s6;
	s4 =	sadd.s32 $0x200000, s4  }
0x13f: {  	s28 =	sadd.s32 $0x1BF00, s20;
	s25 =	sadd.s32 $0x1, s17;
	s21 =	sshrl.u32 s4, $0x3  }
0x140: {  	s17 =	sadd.s32 $0x1, s18;
	s4 =	sadd.s32 $0x1, s5;
	s18 =	sadd.s32 s12, s21;
	[tilespmem:s20+$0x1BF30] =	vst v5  }
.LBB2_14:
0x141: {  	[hbm4b:s18+s10] =	stream.linear.scatter [tilespmem:s28], [sflag:s17], $0x80, $0x38;
	[tilespmem:$0x1C300] =	vst v63  }
0x142: {  	s3 =	sadd.s32 $0xFFFFFFFF, s3;
	v5 =	vld [tilespmem:s6+$0x0]  }
0x143: {  	p3 =	sne.s32 s3, $0x0;
	_ =	sdelay $0x3  }
0x144: {  	(v2sf) =	vpush v5, $0x0;
	_ =	sdelay $0xe  }
0x145: {  	s17 =	spop (v2sf)  }
0x146: {  	s17 =	sand.u32 $0x7F, s17  }
0x147: {  	v5 =	vmov s17  }
0x148: {  	p0 =	slt.s32 s4, $0x8;
	s17 =	sand.u32 $0x7, s4;
	v6 =	vor.u32 v0, v5  }
0x149: {  	s18 =	sadd.s32 @!p0 $0x1, s17;
	v7 =	vld [tilespmem:s25+$0x0]  }
0x14a: {  	_ =	swait.ge @!p0 [sflag:s18], $0x80  }
0x14b: {  	[sflag:s18] =	ssyncset.done @!p0 $0x0  }
0x14c: {  	[sflag:s18] =	ssyncadd.s32 @!p0 $0xFFFFFF80  }
0x14d: {  	v6 =	vld.idx.msk [tilespmem:v6+s2+$0x0], $0xffff  }
0x14e: {  	(v2sf) =	vpush v7, $0x0  }
0x14f: {  	v7 =	vor.u32 v1, v5;
	_ =	sdelay $0x2  }
0x150: {  	s18 =	sshll.u32 s17, $0x7  }
0x151: {  	[tilespmem:s18+$0x1BF00] =	vst v6  }
0x152: {  	v6 =	vld.idx.msk [tilespmem:v7+s2+$0x0], $0xffff;
	_ =	sdelay $0x1  }
0x153: {  	v7 =	vor.u32 v2, v5;
	_ =	sdelay $0x3  }
0x154: {  	[tilespmem:s18+$0x1BF10] =	vst v6  }
0x155: {  	v6 =	vld.idx.msk [tilespmem:v7+s2+$0x0], $0xffff;
	_ =	sdelay $0x1  }
0x156: {  	v5 =	vor.u32 v3, v5;
	s20 =	spop (v2sf)  }
0x157: {  	s20 =	sshll.u32 s20, $0x7  }
0x158: {  	s20 =	sadd.s32 $0x200000, s20  }
0x159: {  	s20 =	sshrl.u32 s20, $0x3  }
0x15a: {  	[tilespmem:s18+$0x1BF20] =	vst v6  }
0x15b: {  	v5 =	vld.idx.msk [tilespmem:v5+s2+$0x0], $0xffff;
	_ =	sdelay $0x1  }
.Ltmp13:
0x15c: {  	(pc) =	sbr.rel @p3 .LBB2_14-.Ltmp13, $3  }
0x15d: {  	_ =	sdelay $0x1  }
0x15e: {  	s6 =	sadd.s32 $0x1, s6;
	s4 =	sadd.s32 $0x1, s4;
	s25 =	sadd.s32 $0x1, s25  }
0x15f: {  	s17 =	sadd.s32 $0x1, s17;
	s28 =	sadd.s32 $0x1BF00, s18;
	[tilespmem:s18+$0x1BF30] =	vst v5;
	s18 =	sadd.s32 s12, s20  }
.LBB2_15:
.Ltmp14:
0x160: {  	(pc) =	sbr.rel .LBB2_16-.Ltmp14, $2  }
0x161: {  	_ =	sdelay $0x2  }
0x162: {  	[hbm4b:s18+s10] =	stream.linear.scatter [tilespmem:s28], [sflag:s17], $0x80, $0x38;
	[tilespmem:$0x1C300] =	vst v63  }
.LBB2_17:
0x163: {  	p0 =	slt.s32 s8, $0x1  }
0x164: {  	s0 =	simm.s32 @!p0 $0x1  }
0x165: {  	p1 =	seq.s32 @!p0 s8, $0x1;
	_ =	swait.ge @!p0 [sflag:s0], $0x80  }
0x166: {  	p1 =	por p0, p1;
	[sflag:s0] =	ssyncset.done @!p0 $0x0  }
0x167: {  	[sflag:s0] =	ssyncadd.s32 @!p0 $0xFFFFFF80;
	p0 =	slt.u32 @!p1 s8, $0x3  }
0x168: {  	p0 =	por p1, p0  }
.Ltmp15:
0x169: {  	_ = 	snop;
	(pc) =	sbr.rel @p0 .LBB2_19-.Ltmp15, $4  }
0x16a: {  	s0 =	simm.s32 @!p1 $0x2  }
0x16b: {  	_ =	swait.ge @!p1 [sflag:s0], $0x80  }
0x16c: {  	[sflag:s0] =	ssyncset.done @!p1 $0x0  }
0x16d: {  	[sflag:s0] =	ssyncadd.s32 @!p1 $0xFFFFFF80  }
0x16e: {  	p3 =	seq.s32 s8, $0x3  }
0x16f: {  	p4 =	slt.u32 @!p3 s8, $0x5  }
0x170: {  	p5 =	por p4, p3  }
0x171: {  	_ =	swait.ge [sflag:s30], $0x80;
	p2 =	seq.s32 @!p5 s8, $0x5  }
0x172: {  	[sflag:s30] =	ssyncset.done $0x0;
	s1 =	simm.s32 @!p2 $0x0;
	p0 =	por @!p3 p2, p4  }
0x173: {  	s0 =	simm.s32 @!p3 $0x4;
	s1 =	simm.s32 @p2 $0x1;
	p0 =	por p0, p3  }
0x174: {  	[sflag:s30] =	ssyncadd.s32 $0xFFFFFF80;
	[smem:$0x7F8] =	sst s1;
	p1 =	slt.u32 @!p0 s8, $0x7  }
0x175: {  	_ =	swait.ge @!p3 [sflag:s0], $0x80;
	s1 =	simm.s32 @!p1 $0x0  }
0x176: {  	[sflag:s0] =	ssyncset.done @!p3 $0x0;
	s1 =	simm.s32 @p1 $0x1  }
0x177: {  	[sflag:s0] =	ssyncadd.s32 @!p3 $0xFFFFFF80;
	s0 =	simm.s32 @!p5 $0x5;
	[smem:$0x7F7] =	sst s1  }
0x178: {  	_ =	swait.ge @!p5 [sflag:s0], $0x80  }
0x179: {  	[sflag:s0] =	ssyncset.done @!p5 $0x0  }
0x17a: {  	[sflag:s0] =	ssyncadd.s32 @!p5 $0xFFFFFF80;
	s0 =	simm.s32 @!p0 $0x6  }
0x17b: {  	_ =	swait.ge @!p0 [sflag:s0], $0x80  }
0x17c: {  	p2 =	por @!p5 p1, p2;
	s18 =	sld [smem:$0x7F7]  }
0x17d: {  	p2 =	por @!p3 p2, p4;
	s20 =	sld [smem:$0x7F8]  }
0x17e: {  	p2 =	por p2, p3  }
0x17f: {  	p1 =	seq.s32 @!p2 s8, $0x7;
	[sflag:s0] =	ssyncset.done @!p0 $0x0;
	p6 =	seq.s32 s18, $0x1  }
0x180: {  	[sflag:s0] =	ssyncadd.s32 @!p0 $0xFFFFFF80;
	p1 =	por @!p0 p1, p6;
	p0 =	seq.s32 s20, $0x1  }
0x181: {  	s21 =	sld [smem:$0x7FD];
	s0 =	simm.s32 @!p2 $0x7;
	p0 =	por @!p5 p1, p0  }
0x182: {  	s25 =	sld [smem:$0x7FC];
	_ =	swait.ge @!p2 [sflag:s0], $0x80;
	p0 =	por @!p3 p0, p4  }
.Ltmp16:
0x183: {  	[sflag:s0] =	ssyncset.done @!p2 $0x0;
	p0 =	por p0, p3;
	(pc) =	sbr.rel .LBB2_19-.Ltmp16, $4  }
0x184: {  	s28 =	sld [smem:$0x7FB];
	[sflag:s0] =	ssyncadd.s32 @!p2 $0xFFFFFF80;
	s0 =	simm.s32 @!p0 $0x8  }
0x185: {  	_ =	swait.ge @!p0 [sflag:s0], $0x80  }
0x186: {  	p6 =	seq.s32 s21, $0x1;
	[sflag:s0] =	ssyncset.done @!p0 $0x0  }
0x187: {  	p5 =	seq.s32 s25, $0x1;
	p2 =	seq.s32 s28, $0x1;
	[sflag:s0] =	ssyncadd.s32 @!p0 $0xFFFFFF80  }
.LBB2_20:
0x188: {  	_ =	sfence.sel $0x180000  }
0x189: {  	[bflag:$0x0] =	sbarrier.arrive $0xFFFF  }
0x18a: {  	_ =	strace $0x90000047  }
0x18b: {  	s0 =	stileid.u32;
	[bflag:$0x2] =	sbarrier.arrive $0xFFFF  }
0x18c: {  	p0 =	sne.s32 s0, $0x0;
	s0 =	rddreg [dreg:$0x9]  }
0x18d: {  	s0 =	sadd.s32 @!p0 $0x100000, s0  }
0x18e: {  	[sflag:s0] =	ssyncadd.tile.s32 @!p0 $0x1;
	_ =	shalt  }
.Lfunc_end2:
_tile_overlayer_lowered:
.L_overlay_start_2:
0x18f: {  	(tag) =	ssettag $0x2  }
0x190: {  	s0 =	rddreg [dreg:$0x0];
	s2 =	stileid.u32  }
0x191: {  	s1 =	rddreg [dreg:$0x1];
	p0 =	sne.s32 s2, $0x0  }
0x192: {  	s3 =	rddreg [dreg:$0x2];
	[bflag:$0x3] =	sbarrier.arrive $0xFFFF;
	s2 =	simm.s32 @!p0 $0x1C0D  }
0x193: {  	[timem:s3], [sflag:s2] =	dma.local @!p0 [hbm:s0], s1  }
0x194: {  	s0 =	simm.s32 @!p0 $0xD  }
0x195: {  	_ =	swait.ge @!p0 [sflag:s0], s1  }
0x196: {  	s1 =	ssub.s32 @!p0 $0x0, s1;
	[sflag:s0] =	ssyncset.done @!p0 $0x0  }
0x197: {  	[sflag:s0] =	ssyncadd.s32 @!p0 s1  }
0x198: {  	[bflag:$0x3] =	sbarrier.arrive $0xFFFF  }
0x199: {  	_ =	shalt  }

</sc_bundles>
